<compile_context>
chip_gen: v7x
topology: tpu7x:2x2x1
jax: 0.10.2.dev20260603
libtpu: 0.0.44.dev20260713+nightly
codegen_flags: <defaults>
</compile_context>

<pallas_src>
import functools

import jax
import jax.numpy as jnp
from jax import lax
from jax.experimental import pallas as pl
from jax.experimental.pallas import tpu as pltpu
from jax.experimental.pallas import tpu_sc as plsc

N = 10000
E = 320000
D = 128
A = 128

_info = plsc.get_sparse_core_info()
NC = _info.num_cores
NS = _info.num_subcores
NW = NC * NS
EPW = E // NW
C = 80
NCHUNK = EPW // C
NPAD = 10240
SPT = NPAD // NS
ZR = 128


def _qk_body(x_ref, qwt_ref, kwt_ref, qb_ref, kb_ref, qo_ref, ko_ref):
    xv = x_ref[...]
    qo_ref[...] = jnp.dot(xv, qwt_ref[...],
                          preferred_element_type=jnp.float32) + qb_ref[...]
    ko_ref[...] = jnp.dot(xv, kwt_ref[...],
                          preferred_element_type=jnp.float32) + kb_ref[...]


def _qk_proj(x, qwt, kwt, qb, kb):
    BN = 1000
    grid = (N // BN,)
    return pl.pallas_call(
        _qk_body,
        grid=grid,
        in_specs=[
            pl.BlockSpec((BN, D), lambda i: (i, 0)),
            pl.BlockSpec((D, A), lambda i: (0, 0)),
            pl.BlockSpec((D, A), lambda i: (0, 0)),
            pl.BlockSpec((1, A), lambda i: (0, 0)),
            pl.BlockSpec((1, A), lambda i: (0, 0)),
        ],
        out_specs=[
            pl.BlockSpec((BN, A), lambda i: (i, 0)),
            pl.BlockSpec((BN, A), lambda i: (i, 0)),
        ],
        out_shape=[
            jax.ShapeDtypeStruct((N, A), jnp.float32),
            jax.ShapeDtypeStruct((N, A), jnp.float32),
        ],
    )(x, qwt, kwt, qb, kb)


def _gather_body(qx_hbm, kx_hbm, dst_hbm, src_hbm, out_hbm,
                 didx, sidx, bufq, bufk, semq, semk):
    wid = lax.axis_index("s") * NC + lax.axis_index("c")
    base = wid * EPW

    def chunk(c, carry):
        off = base + c * C
        pltpu.sync_copy(dst_hbm.at[pl.ds(off, C)], didx)
        pltpu.sync_copy(src_hbm.at[pl.ds(off, C)], sidx)
        cq = pltpu.async_copy(qx_hbm.at[didx], bufq, semq)
        ck = pltpu.async_copy(kx_hbm.at[sidx], bufk, semk)
        cq.wait()
        ck.wait()

        def row(r, rc):
            for j in range(A // 16):
                sl = pl.ds(j * 16, 16)
                bufq[r, sl] = bufq[r, sl] + bufk[r, sl]
            return rc

        lax.fori_loop(0, C, row, 0)
        pltpu.sync_copy(bufq, out_hbm.at[pl.ds(off, C)])
        return carry

    lax.fori_loop(0, NCHUNK, chunk, 0)


def _gather_add(qx, kx, dst, src):
    mesh = plsc.VectorSubcoreMesh(core_axis_name="c", subcore_axis_name="s")
    return pl.kernel(
        _gather_body,
        mesh=mesh,
        out_type=jax.ShapeDtypeStruct((E, A), jnp.float32),
        scratch_types=[
            pltpu.VMEM((C,), jnp.int32),
            pltpu.VMEM((C,), jnp.int32),
            pltpu.VMEM((C, A), jnp.float32),
            pltpu.VMEM((C, A), jnp.float32),
            pltpu.SemaphoreType.DMA,
            pltpu.SemaphoreType.DMA,
        ],
    )(qx, kx, dst, src)


def _mlp_body(poly_ref, s_ref, ewt_ref, cwt_ref, cb_ref, out_ref):
    h = s_ref[...] + jnp.dot(poly_ref[...], ewt_ref[...],
                             preferred_element_type=jnp.float32)
    h = jnp.maximum(h, 0.0)
    out_ref[...] = jnp.dot(h, cwt_ref[...],
                           preferred_element_type=jnp.float32) + cb_ref[...]


def _edge_mlp(poly_conn, s, ewt, cwt, cb):
    BE = 2000
    grid = (E // BE,)
    return pl.pallas_call(
        _mlp_body,
        grid=grid,
        in_specs=[
            pl.BlockSpec((BE, D), lambda i: (i, 0)),
            pl.BlockSpec((BE, A), lambda i: (i, 0)),
            pl.BlockSpec((D, A), lambda i: (0, 0)),
            pl.BlockSpec((A, D), lambda i: (0, 0)),
            pl.BlockSpec((1, D), lambda i: (0, 0)),
        ],
        out_specs=pl.BlockSpec((BE, D), lambda i: (i, 0)),
        out_shape=jax.ShapeDtypeStruct((E, D), jnp.float32),
    )(poly_conn, s, ewt, cwt, cb)


def _scatter_body(conn_hbm, dstm_hbm, out_hbm, idxbuf, cbuf, zbuf, agg_sh, sem):
    cid = lax.axis_index("c")
    sid = lax.axis_index("s")
    wid = sid * NC + cid

    zero = jnp.zeros((16,), jnp.float32)

    def zrow(r, rc):
        for j in range(D // 16):
            zbuf[r, pl.ds(j * 16, 16)] = zero
        return rc

    lax.fori_loop(0, ZR, zrow, 0)

    def zcp(i, ic):
        pltpu.sync_copy(zbuf, agg_sh.at[pl.ds(sid * SPT + i * ZR, ZR)])
        return ic

    lax.fori_loop(0, SPT // ZR, zcp, 0)
    plsc.subcore_barrier()

    pltpu.sync_copy(dstm_hbm.at[wid], idxbuf)

    def chunk(ch, cc):
        off = (wid * NCHUNK + ch) * C
        pltpu.sync_copy(conn_hbm.at[pl.ds(off, C)], cbuf)
        pltpu.sync_copy(cbuf, agg_sh.at[idxbuf.at[ch]], add=True)
        return cc

    lax.fori_loop(0, NCHUNK, chunk, 0)
    plsc.subcore_barrier()

    def wcp(i, ic):
        r0 = sid * SPT + i * ZR
        pltpu.sync_copy(agg_sh.at[pl.ds(r0, ZR)], out_hbm.at[cid].at[pl.ds(r0, ZR)])
        return ic

    lax.fori_loop(0, SPT // ZR, wcp, 0)


def _scatter_add(conn, dstm):
    mesh = plsc.VectorSubcoreMesh(core_axis_name="c", subcore_axis_name="s")
    return pl.kernel(
        _scatter_body,
        mesh=mesh,
        out_type=jax.ShapeDtypeStruct((NC, NPAD, D), jnp.float32),
        scratch_types=[
            pltpu.VMEM((NCHUNK, C), jnp.int32),
            pltpu.VMEM((C, D), jnp.float32),
            pltpu.VMEM((ZR, D), jnp.float32),
            pltpu.VMEM_SHARED((NPAD, D), jnp.float32),
            pltpu.SemaphoreType.DMA,
        ],
    )(conn, dstm)


def _comb_body(p_ref, out_ref):
    out_ref[...] = p_ref[0] + p_ref[1]


def _combine(parts):
    BN = 1000
    return pl.pallas_call(
        _comb_body,
        grid=(N // BN,),
        in_specs=[pl.BlockSpec((NC, BN, D), lambda i: (0, i, 0))],
        out_specs=pl.BlockSpec((BN, D), lambda i: (i, 0)),
        out_shape=jax.ShapeDtypeStruct((N, D), jnp.float32),
    )(parts)


def kernel(x, poly_conn, poly_index, Q_w, Q_b, K_w, K_b, E_w, conn_w, conn_b):
    dst = poly_index[0]
    src = poly_index[1]
    qwt = Q_w.T
    kwt = K_w.T
    ewt = E_w.T
    cwt = conn_w.T
    qb = Q_b.reshape(1, A)
    kb = K_b.reshape(1, A)
    cb = conn_b.reshape(1, D)

    qx, kx = _qk_proj(x, qwt, kwt, qb, kb)
    s = _gather_add(qx, kx, dst, src)
    conn = _edge_mlp(poly_conn, s, ewt, cwt, cb)
    dstm = dst.reshape(NW, NCHUNK, C)
    parts = _scatter_add(conn, dstm)
    agg = _combine(parts)
    return (agg, conn)

# --- scband reference (transcript-rebuilt; emitter-appended) ---
"""Pipeline reference for scband-mbp-ginemessage-passing-24824910970957 (READ-ONLY COPY).

The authoritative reference and input builder live on the scoring server;
editing this copy changes nothing except your own understanding.
"""

import jax, jax.numpy as jnp
import numpy as np

N = 10000
E = 320000
D = 128          # hidden_dim
A = 16 * 8       # attn_dim * attn_heads = 128


def _xavier(key, shape):
    fan_out, fan_in = shape
    std = np.sqrt(2.0 / (fan_in + fan_out))
    return jax.random.normal(key, shape, dtype=jnp.float32) * std


def setup_inputs(seed: int = 0) -> dict:
    key = jax.random.key(seed)
    ks = jax.random.split(key, 10)
    x = jax.random.normal(ks[0], (N, D), dtype=jnp.float32)
    poly_conn = jax.random.normal(ks[1], (E, D), dtype=jnp.float32)
    poly_index = jax.random.randint(ks[2], (2, E), 0, N, dtype=jnp.int32)
    Q_w = _xavier(ks[3], (A, D))
    Q_b = jnp.zeros((A,), dtype=jnp.float32)
    K_w = _xavier(ks[4], (A, D))
    K_b = jnp.zeros((A,), dtype=jnp.float32)
    E_w = _xavier(ks[5], (A, D))
    conn_w = _xavier(ks[6], (D, A))
    conn_b = jnp.zeros((D,), dtype=jnp.float32)
    return {"x": x, "poly_conn": poly_conn, "poly_index": poly_index,
            "Q_w": Q_w, "Q_b": Q_b, "K_w": K_w, "K_b": K_b,
            "E_w": E_w, "conn_w": conn_w, "conn_b": conn_b}


def reference(x, poly_conn, poly_index, Q_w, Q_b, K_w, K_b, E_w, conn_w, conn_b):
    # Eh = self.E(batch['poly_conn'])  (Linear, no bias)
    Eh = poly_conn @ E_w.T
    dst = poly_index[0]
    src = poly_index[1]
    # Qdst = self.Q(x)[dst]; Ksrc = self.K(x)[src]
    Qx = x @ Q_w.T + Q_b
    Kx = x @ K_w.T + K_b
    Qdst = jnp.take(Qx, dst, axis=0)
    Ksrc = jnp.take(Kx, src, axis=0)
    conn1 = Qdst + Ksrc + Eh
    conn2 = jax.nn.relu(conn1)          # act='relu'
    conn3 = conn2                        # dropout p=0.0 -> identity
    conn = conn3 @ conn_w.T + conn_b
    # scatter(conn, dst, dim=0, reduce='add')
    agg = jax.ops.segment_sum(conn, dst, num_segments=N)
    return (agg, conn)

if __name__ == "__main__":
    import jax
    _d = setup_inputs()
    print(jax.jit(kernel)(*tuple(_d.values())))

</pallas_src>

<mosaic_0001>
#map = affine_map<(d0, d1) -> (0, 0)>
#map1 = affine_map<(d0, d1) -> (0)>
module attributes {stable_mosaic.version = 14 : i64} {
  func.func @_gather_body(%arg0: i32, %arg1: i32, %arg2: memref<10000x128xf32, #tpu.memory_space<hbm>>, %arg3: memref<10000x128xf32, #tpu.memory_space<hbm>>, %arg4: memref<320000xi32, #tpu.memory_space<hbm>>, %arg5: memref<320000xi32, #tpu.memory_space<hbm>>, %arg6: memref<320000x128xf32, #tpu.memory_space<hbm>>, %arg7: memref<80xi32, #tpu.memory_space<vmem>>, %arg8: memref<80xi32, #tpu.memory_space<vmem>>, %arg9: memref<80x128xf32, #tpu.memory_space<vmem>>, %arg10: memref<80x128xf32, #tpu.memory_space<vmem>>, %arg11: memref<!tpu.dma_semaphore, #tpu.memory_space<semaphore_mem>>, %arg12: memref<!tpu.dma_semaphore, #tpu.memory_space<semaphore_mem>>) attributes {dimension_semantics = [#tpu.dimension_semantics<core_parallel>, #tpu.dimension_semantics<subcore_parallel>], iteration_bounds = array<i64: 2, 16>, scalar_prefetch = 0 : i64, scratch_operands = 6 : i64, tpu.core_type = #tpu.core_type<sc_vector_subcore>, window_params = [{transform_indices = #map}, {transform_indices = #map}, {transform_indices = #map1}, {transform_indices = #map1}, {transform_indices = #map}]} {
    %mul3A = arith.constant 2 : i32
    %mul3A_0 = arith.muli %arg1, %mul3A : i32
    %add3A = arith.addi %mul3A_0, %arg0 : i32
    %mul3A_1 = arith.constant 10000 : i32
    %mul3A_2 = arith.muli %add3A, %mul3A_1 : i32
    %scan3A = arith.constant 0 : i32
    %scan3A_3 = arith.constant 0 : i32
    %scan3A_4 = arith.constant 125 : i32
    %scan3A_5 = arith.addi %scan3A_3, %scan3A_4 : i32
    %scan3A_6 = arith.constant 1 : i32
    scf.for %scan3A_8 = %scan3A_3 to %scan3A_5 step %scan3A_6  : i32 {
      %mul3A_9 = arith.constant 80 : i32
      %mul3A_10 = arith.muli %scan3A_8, %mul3A_9 : i32
      %add3A_11 = arith.addi %mul3A_2, %mul3A_10 : i32
      "tpu.region"() ({
        %run_scoped3A = tpu.sem_alloc : memref<!tpu.dma_semaphore, #tpu.memory_space<semaphore_mem>>
        %dma_start3A_28 = tpu.memref_slice %arg4[%add3A_11] : memref<320000xi32, #tpu.memory_space<hbm>> -> memref<80xi32, #tpu.memory_space<hbm>>
        %dma_start3A_29 = tpu.memref_slice %arg4[%add3A_11] : memref<320000xi32, #tpu.memory_space<hbm>> -> memref<80xi32, #tpu.memory_space<hbm>>
        tpu.enqueue_dma source(%dma_start3A_29 : memref<80xi32, #tpu.memory_space<hbm>>) target(%arg7 : memref<80xi32, #tpu.memory_space<vmem>>) target_semaphore(%run_scoped3A : memref<!tpu.dma_semaphore, #tpu.memory_space<semaphore_mem>>)
        %dma_wait3A_30 = tpu.memref_slice %arg4[%add3A_11] : memref<320000xi32, #tpu.memory_space<hbm>> -> memref<80xi32, #tpu.memory_space<hbm>>
        %dma_wait3A_31 = tpu.memref_slice %arg4[%add3A_11] : memref<320000xi32, #tpu.memory_space<hbm>> -> memref<80xi32, #tpu.memory_space<hbm>>
        tpu.wait_dma2 semaphore(%run_scoped3A : memref<!tpu.dma_semaphore, #tpu.memory_space<semaphore_mem>>) src(%dma_wait3A_31 : memref<80xi32, #tpu.memory_space<hbm>>) dst(%arg7 : memref<80xi32, #tpu.memory_space<vmem>>)
        tpu.yield
      }) : () -> ()
      "tpu.region"() ({
        %run_scoped3A = tpu.sem_alloc : memref<!tpu.dma_semaphore, #tpu.memory_space<semaphore_mem>>
        %dma_start3A_28 = tpu.memref_slice %arg5[%add3A_11] : memref<320000xi32, #tpu.memory_space<hbm>> -> memref<80xi32, #tpu.memory_space<hbm>>
        %dma_start3A_29 = tpu.memref_slice %arg5[%add3A_11] : memref<320000xi32, #tpu.memory_space<hbm>> -> memref<80xi32, #tpu.memory_space<hbm>>
        tpu.enqueue_dma source(%dma_start3A_29 : memref<80xi32, #tpu.memory_space<hbm>>) target(%arg8 : memref<80xi32, #tpu.memory_space<vmem>>) target_semaphore(%run_scoped3A : memref<!tpu.dma_semaphore, #tpu.memory_space<semaphore_mem>>)
        %dma_wait3A_30 = tpu.memref_slice %arg5[%add3A_11] : memref<320000xi32, #tpu.memory_space<hbm>> -> memref<80xi32, #tpu.memory_space<hbm>>
        %dma_wait3A_31 = tpu.memref_slice %arg5[%add3A_11] : memref<320000xi32, #tpu.memory_space<hbm>> -> memref<80xi32, #tpu.memory_space<hbm>>
        tpu.wait_dma2 semaphore(%run_scoped3A : memref<!tpu.dma_semaphore, #tpu.memory_space<semaphore_mem>>) src(%dma_wait3A_31 : memref<80xi32, #tpu.memory_space<hbm>>) dst(%arg8 : memref<80xi32, #tpu.memory_space<vmem>>)
        tpu.yield
      }) : () -> ()
      %dma_start3A = arith.constant 0 : i32
      %dma_start3A_12 = arith.constant 0 : i32
      %dma_start3A_13 = tpu.memref_slice %arg2[%dma_start3A, %dma_start3A_12] : memref<10000x128xf32, #tpu.memory_space<hbm>> -> memref<10000x128xf32, #tpu.memory_space<hbm>>
      tpu.enqueue_indirect_dma source(%dma_start3A_13 : memref<10000x128xf32, #tpu.memory_space<hbm>>) target(%arg9 : memref<80x128xf32, #tpu.memory_space<vmem>>) offsets(%arg7 : memref<80xi32, #tpu.memory_space<vmem>>) semaphore(%arg11 : memref<!tpu.dma_semaphore, #tpu.memory_space<semaphore_mem>>)
      %dma_start3A_14 = arith.constant 0 : i32
      %dma_start3A_15 = arith.constant 0 : i32
      %dma_start3A_16 = tpu.memref_slice %arg3[%dma_start3A_14, %dma_start3A_15] : memref<10000x128xf32, #tpu.memory_space<hbm>> -> memref<10000x128xf32, #tpu.memory_space<hbm>>
      tpu.enqueue_indirect_dma source(%dma_start3A_16 : memref<10000x128xf32, #tpu.memory_space<hbm>>) target(%arg10 : memref<80x128xf32, #tpu.memory_space<vmem>>) offsets(%arg8 : memref<80xi32, #tpu.memory_space<vmem>>) semaphore(%arg12 : memref<!tpu.dma_semaphore, #tpu.memory_space<semaphore_mem>>)
      %dma_wait3A = arith.constant 0 : i32
      %dma_wait3A_17 = arith.constant 0 : i32
      %dma_wait3A_18 = tpu.memref_slice %arg2[%dma_wait3A, %dma_wait3A_17] : memref<10000x128xf32, #tpu.memory_space<hbm>> -> memref<10000x128xf32, #tpu.memory_space<hbm>>
      tpu.wait_indirect_dma semaphore(%arg11 : memref<!tpu.dma_semaphore, #tpu.memory_space<semaphore_mem>>) src(%dma_wait3A_18 : memref<10000x128xf32, #tpu.memory_space<hbm>>) dst(%arg9 : memref<80x128xf32, #tpu.memory_space<vmem>>)
      %dma_wait3A_19 = arith.constant 0 : i32
      %dma_wait3A_20 = arith.constant 0 : i32
      %dma_wait3A_21 = tpu.memref_slice %arg3[%dma_wait3A_19, %dma_wait3A_20] : memref<10000x128xf32, #tpu.memory_space<hbm>> -> memref<10000x128xf32, #tpu.memory_space<hbm>>
      tpu.wait_indirect_dma semaphore(%arg12 : memref<!tpu.dma_semaphore, #tpu.memory_space<semaphore_mem>>) src(%dma_wait3A_21 : memref<10000x128xf32, #tpu.memory_space<hbm>>) dst(%arg10 : memref<80x128xf32, #tpu.memory_space<vmem>>)
      %scan3A_22 = arith.constant 0 : i32
      %scan3A_23 = arith.constant 0 : i32
      %scan3A_24 = arith.constant 80 : i32
      %scan3A_25 = arith.addi %scan3A_23, %scan3A_24 : i32
      %scan3A_26 = arith.constant 1 : i32
      scf.for %scan3A_28 = %scan3A_23 to %scan3A_25 step %scan3A_26  : i32 {
        %get3A = arith.index_cast %scan3A_28 : i32 to index
        %get3A_29 = arith.constant 0 : index
        %get3A_30 = tpu.vector_load %arg9[%get3A, %get3A_29] {strides = array<i32>} : memref<80x128xf32, #tpu.memory_space<vmem>>, vector<1x16xf32>,
        %get3A_31 = vector.shape_cast %get3A_30 : vector<1x16xf32> to vector<16xf32>
        %get3A_32 = arith.index_cast %scan3A_28 : i32 to index
        %get3A_33 = arith.constant 0 : index
        %get3A_34 = tpu.vector_load %arg10[%get3A_32, %get3A_33] {strides = array<i32>} : memref<80x128xf32, #tpu.memory_space<vmem>>, vector<1x16xf32>,
        %get3A_35 = vector.shape_cast %get3A_34 : vector<1x16xf32> to vector<16xf32>
        %add3A_36 = arith.addf %get3A_31, %get3A_35 : vector<16xf32>
        %swap3A = arith.index_cast %scan3A_28 : i32 to index
        %swap3A_37 = arith.constant 0 : index
        %swap3A_38 = tpu.vector_load %arg9[%swap3A, %swap3A_37] {strides = array<i32>} : memref<80x128xf32, #tpu.memory_space<vmem>>, vector<1x16xf32>,
        %swap3A_39 = vector.shape_cast %swap3A_38 : vector<1x16xf32> to vector<16xf32>
        %swap3A_40 = vector.shape_cast %add3A_36 : vector<16xf32> to vector<1x16xf32>
        tpu.vector_store %arg9[%swap3A, %swap3A_37], %swap3A_40 {strides = array<i32>} : memref<80x128xf32, #tpu.memory_space<vmem>>, vector<1x16xf32>,
        %get3A_41 = arith.index_cast %scan3A_28 : i32 to index
        %get3A_42 = arith.constant 16 : index
        %get3A_43 = tpu.vector_load %arg9[%get3A_41, %get3A_42] {strides = array<i32>} : memref<80x128xf32, #tpu.memory_space<vmem>>, vector<1x16xf32>,
        %get3A_44 = vector.shape_cast %get3A_43 : vector<1x16xf32> to vector<16xf32>
        %get3A_45 = arith.index_cast %scan3A_28 : i32 to index
        %get3A_46 = arith.constant 16 : index
        %get3A_47 = tpu.vector_load %arg10[%get3A_45, %get3A_46] {strides = array<i32>} : memref<80x128xf32, #tpu.memory_space<vmem>>, vector<1x16xf32>,
        %get3A_48 = vector.shape_cast %get3A_47 : vector<1x16xf32> to vector<16xf32>
        %add3A_49 = arith.addf %get3A_44, %get3A_48 : vector<16xf32>
        %swap3A_50 = arith.index_cast %scan3A_28 : i32 to index
        %swap3A_51 = arith.constant 16 : index
        %swap3A_52 = tpu.vector_load %arg9[%swap3A_50, %swap3A_51] {strides = array<i32>} : memref<80x128xf32, #tpu.memory_space<vmem>>, vector<1x16xf32>,
        %swap3A_53 = vector.shape_cast %swap3A_52 : vector<1x16xf32> to vector<16xf32>
        %swap3A_54 = vector.shape_cast %add3A_49 : vector<16xf32> to vector<1x16xf32>
        tpu.vector_store %arg9[%swap3A_50, %swap3A_51], %swap3A_54 {strides = array<i32>} : memref<80x128xf32, #tpu.memory_space<vmem>>, vector<1x16xf32>,
        %get3A_55 = arith.index_cast %scan3A_28 : i32 to index
        %get3A_56 = arith.constant 32 : index
        %get3A_57 = tpu.vector_load %arg9[%get3A_55, %get3A_56] {strides = array<i32>} : memref<80x128xf32, #tpu.memory_space<vmem>>, vector<1x16xf32>,
        %get3A_58 = vector.shape_cast %get3A_57 : vector<1x16xf32> to vector<16xf32>
        %get3A_59 = arith.index_cast %scan3A_28 : i32 to index
        %get3A_60 = arith.constant 32 : index
        %get3A_61 = tpu.vector_load %arg10[%get3A_59, %get3A_60] {strides = array<i32>} : memref<80x128xf32, #tpu.memory_space<vmem>>, vector<1x16xf32>,
        %get3A_62 = vector.shape_cast %get3A_61 : vector<1x16xf32> to vector<16xf32>
        %add3A_63 = arith.addf %get3A_58, %get3A_62 : vector<16xf32>
        %swap3A_64 = arith.index_cast %scan3A_28 : i32 to index
        %swap3A_65 = arith.constant 32 : index
        %swap3A_66 = tpu.vector_load %arg9[%swap3A_64, %swap3A_65] {strides = array<i32>} : memref<80x128xf32, #tpu.memory_space<vmem>>, vector<1x16xf32>,
        %swap3A_67 = vector.shape_cast %swap3A_66 : vector<1x16xf32> to vector<16xf32>
        %swap3A_68 = vector.shape_cast %add3A_63 : vector<16xf32> to vector<1x16xf32>
        tpu.vector_store %arg9[%swap3A_64, %swap3A_65], %swap3A_68 {strides = array<i32>} : memref<80x128xf32, #tpu.memory_space<vmem>>, vector<1x16xf32>,
        %get3A_69 = arith.index_cast %scan3A_28 : i32 to index
        %get3A_70 = arith.constant 48 : index
        %get3A_71 = tpu.vector_load %arg9[%get3A_69, %get3A_70] {strides = array<i32>} : memref<80x128xf32, #tpu.memory_space<vmem>>, vector<1x16xf32>,
        %get3A_72 = vector.shape_cast %get3A_71 : vector<1x16xf32> to vector<16xf32>
        %get3A_73 = arith.index_cast %scan3A_28 : i32 to index
        %get3A_74 = arith.constant 48 : index
        %get3A_75 = tpu.vector_load %arg10[%get3A_73, %get3A_74] {strides = array<i32>} : memref<80x128xf32, #tpu.memory_space<vmem>>, vector<1x16xf32>,
        %get3A_76 = vector.shape_cast %get3A_75 : vector<1x16xf32> to vector<16xf32>
        %add3A_77 = arith.addf %get3A_72, %get3A_76 : vector<16xf32>
        %swap3A_78 = arith.index_cast %scan3A_28 : i32 to index
        %swap3A_79 = arith.constant 48 : index
        %swap3A_80 = tpu.vector_load %arg9[%swap3A_78, %swap3A_79] {strides = array<i32>} : memref<80x128xf32, #tpu.memory_space<vmem>>, vector<1x16xf32>,
        %swap3A_81 = vector.shape_cast %swap3A_80 : vector<1x16xf32> to vector<16xf32>
        %swap3A_82 = vector.shape_cast %add3A_77 : vector<16xf32> to vector<1x16xf32>
        tpu.vector_store %arg9[%swap3A_78, %swap3A_79], %swap3A_82 {strides = array<i32>} : memref<80x128xf32, #tpu.memory_space<vmem>>, vector<1x16xf32>,
        %get3A_83 = arith.index_cast %scan3A_28 : i32 to index
        %get3A_84 = arith.constant 64 : index
        %get3A_85 = tpu.vector_load %arg9[%get3A_83, %get3A_84] {strides = array<i32>} : memref<80x128xf32, #tpu.memory_space<vmem>>, vector<1x16xf32>,
        %get3A_86 = vector.shape_cast %get3A_85 : vector<1x16xf32> to vector<16xf32>
        %get3A_87 = arith.index_cast %scan3A_28 : i32 to index
        %get3A_88 = arith.constant 64 : index
        %get3A_89 = tpu.vector_load %arg10[%get3A_87, %get3A_88] {strides = array<i32>} : memref<80x128xf32, #tpu.memory_space<vmem>>, vector<1x16xf32>,
        %get3A_90 = vector.shape_cast %get3A_89 : vector<1x16xf32> to vector<16xf32>
        %add3A_91 = arith.addf %get3A_86, %get3A_90 : vector<16xf32>
        %swap3A_92 = arith.index_cast %scan3A_28 : i32 to index
        %swap3A_93 = arith.constant 64 : index
        %swap3A_94 = tpu.vector_load %arg9[%swap3A_92, %swap3A_93] {strides = array<i32>} : memref<80x128xf32, #tpu.memory_space<vmem>>, vector<1x16xf32>,
        %swap3A_95 = vector.shape_cast %swap3A_94 : vector<1x16xf32> to vector<16xf32>
        %swap3A_96 = vector.shape_cast %add3A_91 : vector<16xf32> to vector<1x16xf32>
        tpu.vector_store %arg9[%swap3A_92, %swap3A_93], %swap3A_96 {strides = array<i32>} : memref<80x128xf32, #tpu.memory_space<vmem>>, vector<1x16xf32>,
        %get3A_97 = arith.index_cast %scan3A_28 : i32 to index
        %get3A_98 = arith.constant 80 : index
        %get3A_99 = tpu.vector_load %arg9[%get3A_97, %get3A_98] {strides = array<i32>} : memref<80x128xf32, #tpu.memory_space<vmem>>, vector<1x16xf32>,
        %get3A_100 = vector.shape_cast %get3A_99 : vector<1x16xf32> to vector<16xf32>
        %get3A_101 = arith.index_cast %scan3A_28 : i32 to index
        %get3A_102 = arith.constant 80 : index
        %get3A_103 = tpu.vector_load %arg10[%get3A_101, %get3A_102] {strides = array<i32>} : memref<80x128xf32, #tpu.memory_space<vmem>>, vector<1x16xf32>,
        %get3A_104 = vector.shape_cast %get3A_103 : vector<1x16xf32> to vector<16xf32>
        %add3A_105 = arith.addf %get3A_100, %get3A_104 : vector<16xf32>
        %swap3A_106 = arith.index_cast %scan3A_28 : i32 to index
        %swap3A_107 = arith.constant 80 : index
        %swap3A_108 = tpu.vector_load %arg9[%swap3A_106, %swap3A_107] {strides = array<i32>} : memref<80x128xf32, #tpu.memory_space<vmem>>, vector<1x16xf32>,
        %swap3A_109 = vector.shape_cast %swap3A_108 : vector<1x16xf32> to vector<16xf32>
        %swap3A_110 = vector.shape_cast %add3A_105 : vector<16xf32> to vector<1x16xf32>
        tpu.vector_store %arg9[%swap3A_106, %swap3A_107], %swap3A_110 {strides = array<i32>} : memref<80x128xf32, #tpu.memory_space<vmem>>, vector<1x16xf32>,
        %get3A_111 = arith.index_cast %scan3A_28 : i32 to index
        %get3A_112 = arith.constant 96 : index
        %get3A_113 = tpu.vector_load %arg9[%get3A_111, %get3A_112] {strides = array<i32>} : memref<80x128xf32, #tpu.memory_space<vmem>>, vector<1x16xf32>,
        %get3A_114 = vector.shape_cast %get3A_113 : vector<1x16xf32> to vector<16xf32>
        %get3A_115 = arith.index_cast %scan3A_28 : i32 to index
        %get3A_116 = arith.constant 96 : index
        %get3A_117 = tpu.vector_load %arg10[%get3A_115, %get3A_116] {strides = array<i32>} : memref<80x128xf32, #tpu.memory_space<vmem>>, vector<1x16xf32>,
        %get3A_118 = vector.shape_cast %get3A_117 : vector<1x16xf32> to vector<16xf32>
        %add3A_119 = arith.addf %get3A_114, %get3A_118 : vector<16xf32>
        %swap3A_120 = arith.index_cast %scan3A_28 : i32 to index
        %swap3A_121 = arith.constant 96 : index
        %swap3A_122 = tpu.vector_load %arg9[%swap3A_120, %swap3A_121] {strides = array<i32>} : memref<80x128xf32, #tpu.memory_space<vmem>>, vector<1x16xf32>,
        %swap3A_123 = vector.shape_cast %swap3A_122 : vector<1x16xf32> to vector<16xf32>
        %swap3A_124 = vector.shape_cast %add3A_119 : vector<16xf32> to vector<1x16xf32>
        tpu.vector_store %arg9[%swap3A_120, %swap3A_121], %swap3A_124 {strides = array<i32>} : memref<80x128xf32, #tpu.memory_space<vmem>>, vector<1x16xf32>,
        %get3A_125 = arith.index_cast %scan3A_28 : i32 to index
        %get3A_126 = arith.constant 112 : index
        %get3A_127 = tpu.vector_load %arg9[%get3A_125, %get3A_126] {strides = array<i32>} : memref<80x128xf32, #tpu.memory_space<vmem>>, vector<1x16xf32>,
        %get3A_128 = vector.shape_cast %get3A_127 : vector<1x16xf32> to vector<16xf32>
        %get3A_129 = arith.index_cast %scan3A_28 : i32 to index
        %get3A_130 = arith.constant 112 : index
        %get3A_131 = tpu.vector_load %arg10[%get3A_129, %get3A_130] {strides = array<i32>} : memref<80x128xf32, #tpu.memory_space<vmem>>, vector<1x16xf32>,
        %get3A_132 = vector.shape_cast %get3A_131 : vector<1x16xf32> to vector<16xf32>
        %add3A_133 = arith.addf %get3A_128, %get3A_132 : vector<16xf32>
        %swap3A_134 = arith.index_cast %scan3A_28 : i32 to index
        %swap3A_135 = arith.constant 112 : index
        %swap3A_136 = tpu.vector_load %arg9[%swap3A_134, %swap3A_135] {strides = array<i32>} : memref<80x128xf32, #tpu.memory_space<vmem>>, vector<1x16xf32>,
        %swap3A_137 = vector.shape_cast %swap3A_136 : vector<1x16xf32> to vector<16xf32>
        %swap3A_138 = vector.shape_cast %add3A_133 : vector<16xf32> to vector<1x16xf32>
        tpu.vector_store %arg9[%swap3A_134, %swap3A_135], %swap3A_138 {strides = array<i32>} : memref<80x128xf32, #tpu.memory_space<vmem>>, vector<1x16xf32>,
      }
      %scan3A_27 = arith.constant 80 : i32
      "tpu.region"() ({
        %run_scoped3A = tpu.sem_alloc : memref<!tpu.dma_semaphore, #tpu.memory_space<semaphore_mem>>
        %dma_start3A_28 = arith.constant 0 : i32
        %dma_start3A_29 = tpu.memref_slice %arg6[%add3A_11, %dma_start3A_28] : memref<320000x128xf32, #tpu.memory_space<hbm>> -> memref<80x128xf32, #tpu.memory_space<hbm>>
        %dma_start3A_30 = arith.constant 0 : i32
        %dma_start3A_31 = tpu.memref_slice %arg6[%add3A_11, %dma_start3A_30] : memref<320000x128xf32, #tpu.memory_space<hbm>> -> memref<80x128xf32, #tpu.memory_space<hbm>>
        tpu.enqueue_dma source(%arg9 : memref<80x128xf32, #tpu.memory_space<vmem>>) target(%dma_start3A_31 : memref<80x128xf32, #tpu.memory_space<hbm>>) target_semaphore(%run_scoped3A : memref<!tpu.dma_semaphore, #tpu.memory_space<semaphore_mem>>)
        %dma_wait3A_32 = arith.constant 0 : i32
        %dma_wait3A_33 = tpu.memref_slice %arg6[%add3A_11, %dma_wait3A_32] : memref<320000x128xf32, #tpu.memory_space<hbm>> -> memref<80x128xf32, #tpu.memory_space<hbm>>
        %dma_wait3A_34 = arith.constant 0 : i32
        %dma_wait3A_35 = tpu.memref_slice %arg6[%add3A_11, %dma_wait3A_34] : memref<320000x128xf32, #tpu.memory_space<hbm>> -> memref<80x128xf32, #tpu.memory_space<hbm>>
        tpu.wait_dma2 semaphore(%run_scoped3A : memref<!tpu.dma_semaphore, #tpu.memory_space<semaphore_mem>>) src(%arg9 : memref<80x128xf32, #tpu.memory_space<vmem>>) dst(%dma_wait3A_35 : memref<80x128xf32, #tpu.memory_space<hbm>>)
        tpu.yield
      }) : () -> ()
    }
    %scan3A_7 = arith.constant 125 : i32
    return
  }
}

#map = affine_map<(d0, d1) -> (0, 0)>
#map1 = affine_map<(d0, d1) -> (0, 0, 0)>
module attributes {stable_mosaic.version = 14 : i64} {
  func.func @_scatter_body(%arg0: i32, %arg1: i32, %arg2: memref<320000x128xf32, #tpu.memory_space<hbm>>, %arg3: memref<32x125x80xi32, #tpu.memory_space<hbm>>, %arg4: memref<2x10240x128xf32, #tpu.memory_space<hbm>>, %arg5: memref<125x80xi32, #tpu.memory_space<vmem>>, %arg6: memref<80x128xf32, #tpu.memory_space<vmem>>, %arg7: memref<128x128xf32, #tpu.memory_space<vmem>>, %arg8: memref<10240x128xf32, #tpu.memory_space<vmem_shared>>, %arg9: memref<!tpu.dma_semaphore, #tpu.memory_space<semaphore_mem>>) attributes {dimension_semantics = [#tpu.dimension_semantics<core_parallel>, #tpu.dimension_semantics<subcore_parallel>], iteration_bounds = array<i64: 2, 16>, scalar_prefetch = 0 : i64, scratch_operands = 5 : i64, tpu.core_type = #tpu.core_type<sc_vector_subcore>, window_params = [{transform_indices = #map}, {transform_indices = #map1}, {transform_indices = #map1}]} {
    %mul3A = arith.constant 2 : i32
    %mul3A_0 = arith.muli %arg1, %mul3A : i32
    %add3A = arith.addi %mul3A_0, %arg0 : i32
    %broadcast_in_dim3A = arith.constant 0.000000e+00 : f32
    %broadcast_in_dim3A_1 = vector.broadcast %broadcast_in_dim3A : f32 to vector<16xf32>
    %scan3A = arith.constant 0 : i32
    %scan3A_2 = arith.constant 0 : i32
    %scan3A_3 = arith.constant 128 : i32
    %scan3A_4 = arith.addi %scan3A_2, %scan3A_3 : i32
    %scan3A_5 = arith.constant 1 : i32
    scf.for %scan3A_26 = %scan3A_2 to %scan3A_4 step %scan3A_5  : i32 {
      %swap3A = arith.index_cast %scan3A_26 : i32 to index
      %swap3A_27 = arith.constant 0 : index
      %swap3A_28 = tpu.vector_load %arg7[%swap3A, %swap3A_27] {strides = array<i32>} : memref<128x128xf32, #tpu.memory_space<vmem>>, vector<1x16xf32>,
      %swap3A_29 = vector.shape_cast %swap3A_28 : vector<1x16xf32> to vector<16xf32>
      %swap3A_30 = vector.shape_cast %broadcast_in_dim3A_1 : vector<16xf32> to vector<1x16xf32>
      tpu.vector_store %arg7[%swap3A, %swap3A_27], %swap3A_30 {strides = array<i32>} : memref<128x128xf32, #tpu.memory_space<vmem>>, vector<1x16xf32>,
      %swap3A_31 = arith.index_cast %scan3A_26 : i32 to index
      %swap3A_32 = arith.constant 16 : index
      %swap3A_33 = tpu.vector_load %arg7[%swap3A_31, %swap3A_32] {strides = array<i32>} : memref<128x128xf32, #tpu.memory_space<vmem>>, vector<1x16xf32>,
      %swap3A_34 = vector.shape_cast %swap3A_33 : vector<1x16xf32> to vector<16xf32>
      %swap3A_35 = vector.shape_cast %broadcast_in_dim3A_1 : vector<16xf32> to vector<1x16xf32>
      tpu.vector_store %arg7[%swap3A_31, %swap3A_32], %swap3A_35 {strides = array<i32>} : memref<128x128xf32, #tpu.memory_space<vmem>>, vector<1x16xf32>,
      %swap3A_36 = arith.index_cast %scan3A_26 : i32 to index
      %swap3A_37 = arith.constant 32 : index
      %swap3A_38 = tpu.vector_load %arg7[%swap3A_36, %swap3A_37] {strides = array<i32>} : memref<128x128xf32, #tpu.memory_space<vmem>>, vector<1x16xf32>,
      %swap3A_39 = vector.shape_cast %swap3A_38 : vector<1x16xf32> to vector<16xf32>
      %swap3A_40 = vector.shape_cast %broadcast_in_dim3A_1 : vector<16xf32> to vector<1x16xf32>
      tpu.vector_store %arg7[%swap3A_36, %swap3A_37], %swap3A_40 {strides = array<i32>} : memref<128x128xf32, #tpu.memory_space<vmem>>, vector<1x16xf32>,
      %swap3A_41 = arith.index_cast %scan3A_26 : i32 to index
      %swap3A_42 = arith.constant 48 : index
      %swap3A_43 = tpu.vector_load %arg7[%swap3A_41, %swap3A_42] {strides = array<i32>} : memref<128x128xf32, #tpu.memory_space<vmem>>, vector<1x16xf32>,
      %swap3A_44 = vector.shape_cast %swap3A_43 : vector<1x16xf32> to vector<16xf32>
      %swap3A_45 = vector.shape_cast %broadcast_in_dim3A_1 : vector<16xf32> to vector<1x16xf32>
      tpu.vector_store %arg7[%swap3A_41, %swap3A_42], %swap3A_45 {strides = array<i32>} : memref<128x128xf32, #tpu.memory_space<vmem>>, vector<1x16xf32>,
      %swap3A_46 = arith.index_cast %scan3A_26 : i32 to index
      %swap3A_47 = arith.constant 64 : index
      %swap3A_48 = tpu.vector_load %arg7[%swap3A_46, %swap3A_47] {strides = array<i32>} : memref<128x128xf32, #tpu.memory_space<vmem>>, vector<1x16xf32>,
      %swap3A_49 = vector.shape_cast %swap3A_48 : vector<1x16xf32> to vector<16xf32>
      %swap3A_50 = vector.shape_cast %broadcast_in_dim3A_1 : vector<16xf32> to vector<1x16xf32>
      tpu.vector_store %arg7[%swap3A_46, %swap3A_47], %swap3A_50 {strides = array<i32>} : memref<128x128xf32, #tpu.memory_space<vmem>>, vector<1x16xf32>,
      %swap3A_51 = arith.index_cast %scan3A_26 : i32 to index
      %swap3A_52 = arith.constant 80 : index
      %swap3A_53 = tpu.vector_load %arg7[%swap3A_51, %swap3A_52] {strides = array<i32>} : memref<128x128xf32, #tpu.memory_space<vmem>>, vector<1x16xf32>,
      %swap3A_54 = vector.shape_cast %swap3A_53 : vector<1x16xf32> to vector<16xf32>
      %swap3A_55 = vector.shape_cast %broadcast_in_dim3A_1 : vector<16xf32> to vector<1x16xf32>
      tpu.vector_store %arg7[%swap3A_51, %swap3A_52], %swap3A_55 {strides = array<i32>} : memref<128x128xf32, #tpu.memory_space<vmem>>, vector<1x16xf32>,
      %swap3A_56 = arith.index_cast %scan3A_26 : i32 to index
      %swap3A_57 = arith.constant 96 : index
      %swap3A_58 = tpu.vector_load %arg7[%swap3A_56, %swap3A_57] {strides = array<i32>} : memref<128x128xf32, #tpu.memory_space<vmem>>, vector<1x16xf32>,
      %swap3A_59 = vector.shape_cast %swap3A_58 : vector<1x16xf32> to vector<16xf32>
      %swap3A_60 = vector.shape_cast %broadcast_in_dim3A_1 : vector<16xf32> to vector<1x16xf32>
      tpu.vector_store %arg7[%swap3A_56, %swap3A_57], %swap3A_60 {strides = array<i32>} : memref<128x128xf32, #tpu.memory_space<vmem>>, vector<1x16xf32>,
      %swap3A_61 = arith.index_cast %scan3A_26 : i32 to index
      %swap3A_62 = arith.constant 112 : index
      %swap3A_63 = tpu.vector_load %arg7[%swap3A_61, %swap3A_62] {strides = array<i32>} : memref<128x128xf32, #tpu.memory_space<vmem>>, vector<1x16xf32>,
      %swap3A_64 = vector.shape_cast %swap3A_63 : vector<1x16xf32> to vector<16xf32>
      %swap3A_65 = vector.shape_cast %broadcast_in_dim3A_1 : vector<16xf32> to vector<1x16xf32>
      tpu.vector_store %arg7[%swap3A_61, %swap3A_62], %swap3A_65 {strides = array<i32>} : memref<128x128xf32, #tpu.memory_space<vmem>>, vector<1x16xf32>,
    }
    %scan3A_6 = arith.constant 128 : i32
    %scan3A_7 = arith.constant 0 : i32
    %scan3A_8 = arith.constant 0 : i32
    %scan3A_9 = arith.constant 5 : i32
    %scan3A_10 = arith.addi %scan3A_8, %scan3A_9 : i32
    %scan3A_11 = arith.constant 1 : i32
    scf.for %scan3A_26 = %scan3A_8 to %scan3A_10 step %scan3A_11  : i32 {
      %mul3A_27 = arith.constant 640 : i32
      %mul3A_28 = arith.muli %arg1, %mul3A_27 : i32
      %mul3A_29 = arith.constant 128 : i32
      %mul3A_30 = arith.muli %scan3A_26, %mul3A_29 : i32
      %add3A_31 = arith.addi %mul3A_28, %mul3A_30 : i32
      "tpu.region"() ({
        %run_scoped3A = tpu.sem_alloc : memref<!tpu.dma_semaphore, #tpu.memory_space<semaphore_mem>>
        %dma_start3A = arith.constant 0 : i32
        %dma_start3A_32 = tpu.memref_slice %arg8[%add3A_31, %dma_start3A] : memref<10240x128xf32, #tpu.memory_space<vmem_shared>> -> memref<128x128xf32, #tpu.memory_space<vmem_shared>>
        %dma_start3A_33 = arith.constant 0 : i32
        %dma_start3A_34 = tpu.memref_slice %arg8[%add3A_31, %dma_start3A_33] : memref<10240x128xf32, #tpu.memory_space<vmem_shared>> -> memref<128x128xf32, #tpu.memory_space<vmem_shared>>
        tpu.enqueue_dma source(%arg7 : memref<128x128xf32, #tpu.memory_space<vmem>>) target(%dma_start3A_34 : memref<128x128xf32, #tpu.memory_space<vmem_shared>>) target_semaphore(%run_scoped3A : memref<!tpu.dma_semaphore, #tpu.memory_space<semaphore_mem>>)
        %dma_wait3A = arith.constant 0 : i32
        %dma_wait3A_35 = tpu.memref_slice %arg8[%add3A_31, %dma_wait3A] : memref<10240x128xf32, #tpu.memory_space<vmem_shared>> -> memref<128x128xf32, #tpu.memory_space<vmem_shared>>
        %dma_wait3A_36 = arith.constant 0 : i32
        %dma_wait3A_37 = tpu.memref_slice %arg8[%add3A_31, %dma_wait3A_36] : memref<10240x128xf32, #tpu.memory_space<vmem_shared>> -> memref<128x128xf32, #tpu.memory_space<vmem_shared>>
        tpu.wait_dma2 semaphore(%run_scoped3A : memref<!tpu.dma_semaphore, #tpu.memory_space<semaphore_mem>>) src(%arg7 : memref<128x128xf32, #tpu.memory_space<vmem>>) dst(%dma_wait3A_37 : memref<128x128xf32, #tpu.memory_space<vmem_shared>>)
        tpu.yield
      }) : () -> ()
    }
    %scan3A_12 = arith.constant 5 : i32
    %barrier3A = arith.constant 0 : index
    tpu.barrier barrier_id(%barrier3A)
    "tpu.region"() ({
      %run_scoped3A = tpu.sem_alloc : memref<!tpu.dma_semaphore, #tpu.memory_space<semaphore_mem>>
      %dma_start3A = arith.constant 0 : i32
      %dma_start3A_26 = arith.constant 0 : i32
      %dma_start3A_27 = tpu.memref_slice %arg3[%add3A, %dma_start3A, %dma_start3A_26] : memref<32x125x80xi32, #tpu.memory_space<hbm>> -> memref<1x125x80xi32, #tpu.memory_space<hbm>>
      %dma_start3A_28 = tpu.memref_squeeze %dma_start3A_27 : memref<1x125x80xi32, #tpu.memory_space<hbm>> -> memref<125x80xi32, #tpu.memory_space<hbm>>
      %dma_start3A_29 = arith.constant 0 : i32
      %dma_start3A_30 = arith.constant 0 : i32
      %dma_start3A_31 = tpu.memref_slice %arg3[%add3A, %dma_start3A_29, %dma_start3A_30] : memref<32x125x80xi32, #tpu.memory_space<hbm>> -> memref<1x125x80xi32, #tpu.memory_space<hbm>>
      %dma_start3A_32 = tpu.memref_squeeze %dma_start3A_31 : memref<1x125x80xi32, #tpu.memory_space<hbm>> -> memref<125x80xi32, #tpu.memory_space<hbm>>
      tpu.enqueue_dma source(%dma_start3A_32 : memref<125x80xi32, #tpu.memory_space<hbm>>) target(%arg5 : memref<125x80xi32, #tpu.memory_space<vmem>>) target_semaphore(%run_scoped3A : memref<!tpu.dma_semaphore, #tpu.memory_space<semaphore_mem>>)
      %dma_wait3A = arith.constant 0 : i32
      %dma_wait3A_33 = arith.constant 0 : i32
      %dma_wait3A_34 = tpu.memref_slice %arg3[%add3A, %dma_wait3A, %dma_wait3A_33] : memref<32x125x80xi32, #tpu.memory_space<hbm>> -> memref<1x125x80xi32, #tpu.memory_space<hbm>>
      %dma_wait3A_35 = tpu.memref_squeeze %dma_wait3A_34 : memref<1x125x80xi32, #tpu.memory_space<hbm>> -> memref<125x80xi32, #tpu.memory_space<hbm>>
      %dma_wait3A_36 = arith.constant 0 : i32
      %dma_wait3A_37 = arith.constant 0 : i32
      %dma_wait3A_38 = tpu.memref_slice %arg3[%add3A, %dma_wait3A_36, %dma_wait3A_37] : memref<32x125x80xi32, #tpu.memory_space<hbm>> -> memref<1x125x80xi32, #tpu.memory_space<hbm>>
      %dma_wait3A_39 = tpu.memref_squeeze %dma_wait3A_38 : memref<1x125x80xi32, #tpu.memory_space<hbm>> -> memref<125x80xi32, #tpu.memory_space<hbm>>
      tpu.wait_dma2 semaphore(%run_scoped3A : memref<!tpu.dma_semaphore, #tpu.memory_space<semaphore_mem>>) src(%dma_wait3A_39 : memref<125x80xi32, #tpu.memory_space<hbm>>) dst(%arg5 : memref<125x80xi32, #tpu.memory_space<vmem>>)
      tpu.yield
    }) : () -> ()
    %scan3A_13 = arith.constant 0 : i32
    %scan3A_14 = arith.constant 0 : i32
    %scan3A_15 = arith.constant 125 : i32
    %scan3A_16 = arith.addi %scan3A_14, %scan3A_15 : i32
    %scan3A_17 = arith.constant 1 : i32
    scf.for %scan3A_26 = %scan3A_14 to %scan3A_16 step %scan3A_17  : i32 {
      %mul3A_27 = arith.constant 125 : i32
      %mul3A_28 = arith.muli %add3A, %mul3A_27 : i32
      %add3A_29 = arith.addi %mul3A_28, %scan3A_26 : i32
      %mul3A_30 = arith.constant 80 : i32
      %mul3A_31 = arith.muli %add3A_29, %mul3A_30 : i32
      "tpu.region"() ({
        %run_scoped3A = tpu.sem_alloc : memref<!tpu.dma_semaphore, #tpu.memory_space<semaphore_mem>>
        %dma_start3A = arith.constant 0 : i32
        %dma_start3A_32 = tpu.memref_slice %arg2[%mul3A_31, %dma_start3A] : memref<320000x128xf32, #tpu.memory_space<hbm>> -> memref<80x128xf32, #tpu.memory_space<hbm>>
        %dma_start3A_33 = arith.constant 0 : i32
        %dma_start3A_34 = tpu.memref_slice %arg2[%mul3A_31, %dma_start3A_33] : memref<320000x128xf32, #tpu.memory_space<hbm>> -> memref<80x128xf32, #tpu.memory_space<hbm>>
        tpu.enqueue_dma source(%dma_start3A_34 : memref<80x128xf32, #tpu.memory_space<hbm>>) target(%arg6 : memref<80x128xf32, #tpu.memory_space<vmem>>) target_semaphore(%run_scoped3A : memref<!tpu.dma_semaphore, #tpu.memory_space<semaphore_mem>>)
        %dma_wait3A = arith.constant 0 : i32
        %dma_wait3A_35 = tpu.memref_slice %arg2[%mul3A_31, %dma_wait3A] : memref<320000x128xf32, #tpu.memory_space<hbm>> -> memref<80x128xf32, #tpu.memory_space<hbm>>
        %dma_wait3A_36 = arith.constant 0 : i32
        %dma_wait3A_37 = tpu.memref_slice %arg2[%mul3A_31, %dma_wait3A_36] : memref<320000x128xf32, #tpu.memory_space<hbm>> -> memref<80x128xf32, #tpu.memory_space<hbm>>
        tpu.wait_dma2 semaphore(%run_scoped3A : memref<!tpu.dma_semaphore, #tpu.memory_space<semaphore_mem>>) src(%dma_wait3A_37 : memref<80x128xf32, #tpu.memory_space<hbm>>) dst(%arg6 : memref<80x128xf32, #tpu.memory_space<vmem>>)
        tpu.yield
      }) : () -> ()
      "tpu.region"() ({
        %run_scoped3A = tpu.sem_alloc : memref<!tpu.dma_semaphore, #tpu.memory_space<semaphore_mem>>
        %dma_start3A = arith.constant 0 : i32
        %dma_start3A_32 = tpu.memref_slice %arg5[%scan3A_26, %dma_start3A] : memref<125x80xi32, #tpu.memory_space<vmem>> -> memref<1x80xi32, #tpu.memory_space<vmem>>
        %dma_start3A_33 = tpu.memref_squeeze %dma_start3A_32 : memref<1x80xi32, #tpu.memory_space<vmem>> -> memref<80xi32, #tpu.memory_space<vmem>>
        %dma_start3A_34 = arith.constant 0 : i32
        %dma_start3A_35 = arith.constant 0 : i32
        %dma_start3A_36 = tpu.memref_slice %arg8[%dma_start3A_34, %dma_start3A_35] : memref<10240x128xf32, #tpu.memory_space<vmem_shared>> -> memref<10240x128xf32, #tpu.memory_space<vmem_shared>>
        tpu.enqueue_indirect_dma source(%arg6 : memref<80x128xf32, #tpu.memory_space<vmem>>) target(%dma_start3A_36 : memref<10240x128xf32, #tpu.memory_space<vmem_shared>>) offsets(%dma_start3A_33 : memref<80xi32, #tpu.memory_space<vmem>>) semaphore(%run_scoped3A : memref<!tpu.dma_semaphore, #tpu.memory_space<semaphore_mem>>) {add = true}
        %dma_wait3A = arith.constant 0 : i32
        %dma_wait3A_37 = tpu.memref_slice %arg5[%scan3A_26, %dma_wait3A] : memref<125x80xi32, #tpu.memory_space<vmem>> -> memref<1x80xi32, #tpu.memory_space<vmem>>
        %dma_wait3A_38 = tpu.memref_squeeze %dma_wait3A_37 : memref<1x80xi32, #tpu.memory_space<vmem>> -> memref<80xi32, #tpu.memory_space<vmem>>
        %dma_wait3A_39 = arith.constant 0 : i32
        %dma_wait3A_40 = arith.constant 0 : i32
        %dma_wait3A_41 = tpu.memref_slice %arg8[%dma_wait3A_39, %dma_wait3A_40] : memref<10240x128xf32, #tpu.memory_space<vmem_shared>> -> memref<10240x128xf32, #tpu.memory_space<vmem_shared>>
        tpu.wait_indirect_dma semaphore(%run_scoped3A : memref<!tpu.dma_semaphore, #tpu.memory_space<semaphore_mem>>) src(%arg6 : memref<80x128xf32, #tpu.memory_space<vmem>>) dst(%dma_wait3A_41 : memref<10240x128xf32, #tpu.memory_space<vmem_shared>>)
        tpu.yield
      }) : () -> ()
    }
    %scan3A_18 = arith.constant 125 : i32
    %barrier3A_19 = arith.constant 0 : index
    tpu.barrier barrier_id(%barrier3A_19)
    %scan3A_20 = arith.constant 0 : i32
    %scan3A_21 = arith.constant 0 : i32
    %scan3A_22 = arith.constant 5 : i32
    %scan3A_23 = arith.addi %scan3A_21, %scan3A_22 : i32
    %scan3A_24 = arith.constant 1 : i32
    scf.for %scan3A_26 = %scan3A_21 to %scan3A_23 step %scan3A_24  : i32 {
      %mul3A_27 = arith.constant 640 : i32
      %mul3A_28 = arith.muli %arg1, %mul3A_27 : i32
      %mul3A_29 = arith.constant 128 : i32
      %mul3A_30 = arith.muli %scan3A_26, %mul3A_29 : i32
      %add3A_31 = arith.addi %mul3A_28, %mul3A_30 : i32
      "tpu.region"() ({
        %run_scoped3A = tpu.sem_alloc : memref<!tpu.dma_semaphore, #tpu.memory_space<semaphore_mem>>
        %dma_start3A = arith.constant 0 : i32
        %dma_start3A_32 = arith.constant 0 : i32
        %dma_start3A_33 = tpu.memref_slice %arg4[%arg0, %dma_start3A, %dma_start3A_32] : memref<2x10240x128xf32, #tpu.memory_space<hbm>> -> memref<1x10240x128xf32, #tpu.memory_space<hbm>>
        %dma_start3A_34 = tpu.memref_squeeze %dma_start3A_33 : memref<1x10240x128xf32, #tpu.memory_space<hbm>> -> memref<10240x128xf32, #tpu.memory_space<hbm>>
        %dma_start3A_35 = arith.constant 0 : i32
        %dma_start3A_36 = tpu.memref_slice %dma_start3A_34[%add3A_31, %dma_start3A_35] : memref<10240x128xf32, #tpu.memory_space<hbm>> -> memref<128x128xf32, #tpu.memory_space<hbm>>
        %dma_start3A_37 = arith.constant 0 : i32
        %dma_start3A_38 = tpu.memref_slice %arg8[%add3A_31, %dma_start3A_37] : memref<10240x128xf32, #tpu.memory_space<vmem_shared>> -> memref<128x128xf32, #tpu.memory_space<vmem_shared>>
        tpu.enqueue_dma source(%dma_start3A_38 : memref<128x128xf32, #tpu.memory_space<vmem_shared>>) target(%dma_start3A_36 : memref<128x128xf32, #tpu.memory_space<hbm>>) target_semaphore(%run_scoped3A : memref<!tpu.dma_semaphore, #tpu.memory_space<semaphore_mem>>)
        %dma_wait3A = arith.constant 0 : i32
        %dma_wait3A_39 = arith.constant 0 : i32
        %dma_wait3A_40 = tpu.memref_slice %arg4[%arg0, %dma_wait3A, %dma_wait3A_39] : memref<2x10240x128xf32, #tpu.memory_space<hbm>> -> memref<1x10240x128xf32, #tpu.memory_space<hbm>>
        %dma_wait3A_41 = tpu.memref_squeeze %dma_wait3A_40 : memref<1x10240x128xf32, #tpu.memory_space<hbm>> -> memref<10240x128xf32, #tpu.memory_space<hbm>>
        %dma_wait3A_42 = arith.constant 0 : i32
        %dma_wait3A_43 = tpu.memref_slice %dma_wait3A_41[%add3A_31, %dma_wait3A_42] : memref<10240x128xf32, #tpu.memory_space<hbm>> -> memref<128x128xf32, #tpu.memory_space<hbm>>
        %dma_wait3A_44 = arith.constant 0 : i32
        %dma_wait3A_45 = tpu.memref_slice %arg8[%add3A_31, %dma_wait3A_44] : memref<10240x128xf32, #tpu.memory_space<vmem_shared>> -> memref<128x128xf32, #tpu.memory_space<vmem_shared>>
        tpu.wait_dma2 semaphore(%run_scoped3A : memref<!tpu.dma_semaphore, #tpu.memory_space<semaphore_mem>>) src(%dma_wait3A_45 : memref<128x128xf32, #tpu.memory_space<vmem_shared>>) dst(%dma_wait3A_43 : memref<128x128xf32, #tpu.memory_space<hbm>>)
        tpu.yield
      }) : () -> ()
    }
    %scan3A_25 = arith.constant 5 : i32
    return
  }
}

module attributes {stable_mosaic.version = 14 : i64} {
  func.func @_qk_body(%arg0: i32, %arg1: memref<1000x128xf32, #tpu.memory_space<vmem>>, %arg2: memref<128x128xf32, #tpu.memory_space<vmem>>, %arg3: memref<128x128xf32, #tpu.memory_space<vmem>>, %arg4: memref<1x128xf32, #tpu.memory_space<vmem>>, %arg5: memref<1x128xf32, #tpu.memory_space<vmem>>, %arg6: memref<1000x128xf32, #tpu.memory_space<vmem>>, %arg7: memref<1000x128xf32, #tpu.memory_space<vmem>>) attributes {dimension_semantics = [#tpu.dimension_semantics<arbitrary>], iteration_bounds = array<i64: 10>, scalar_prefetch = 0 : i64, scratch_operands = 0 : i64, tpu.core_type = #tpu.core_type<tc>, window_params = [{transform_indices = @transform_0, window_bounds = array<i64: 1000, 128>}, {pipeline_mode = #tpu.pipeline_mode<synchronous>, transform_indices = @transform_1, window_bounds = array<i64: 128, 128>}, {pipeline_mode = #tpu.pipeline_mode<synchronous>, transform_indices = @transform_2, window_bounds = array<i64: 128, 128>}, {pipeline_mode = #tpu.pipeline_mode<synchronous>, transform_indices = @transform_3, window_bounds = array<i64: 1, 128>}, {pipeline_mode = #tpu.pipeline_mode<synchronous>, transform_indices = @transform_4, window_bounds = array<i64: 1, 128>}, {transform_indices = @transform_5, window_bounds = array<i64: 1000, 128>}, {transform_indices = @transform_6, window_bounds = array<i64: 1000, 128>}]} {
    %get3A = arith.constant 0 : index
    %get3A_0 = arith.constant 0 : index
    %get3A_1 = vector.load %arg1[%get3A, %get3A_0] : memref<1000x128xf32, #tpu.memory_space<vmem>>, vector<1000x128xf32>
    %get3A_2 = arith.constant 0 : index
    %get3A_3 = arith.constant 0 : index
    %get3A_4 = vector.load %arg2[%get3A_2, %get3A_3] : memref<128x128xf32, #tpu.memory_space<vmem>>, vector<128x128xf32>
    %dot_general3A = arith.constant dense<0.000000e+00> : vector<1000x128xf32>
    %dot_general3A_5 = tpu.matmul %get3A_1, %get3A_4, %dot_general3A {dimension_numbers = #tpu.dot_dimension_numbers<[1], [0], [0], [1], [0, 0, 1, 1], [], []>, transpose_lhs_hint = false} : vector<1000x128xf32>, vector<128x128xf32>, vector<1000x128xf32> -> vector<1000x128xf32>
    %get3A_6 = arith.constant 0 : index
    %get3A_7 = arith.constant 0 : index
    %get3A_8 = vector.load %arg4[%get3A_6, %get3A_7] : memref<1x128xf32, #tpu.memory_space<vmem>>, vector<1x128xf32>
    %add3A = vector.broadcast %get3A_8 : vector<1x128xf32> to vector<1000x128xf32>
    %add3A_9 = arith.addf %dot_general3A_5, %add3A : vector<1000x128xf32>
    %swap3A = arith.constant 0 : index
    %swap3A_10 = arith.constant 0 : index
    %swap3A_11 = vector.load %arg6[%swap3A, %swap3A_10] : memref<1000x128xf32, #tpu.memory_space<vmem>>, vector<1000x128xf32>
    tpu.vector_store %arg6[%swap3A, %swap3A_10], %add3A_9 {strides = array<i32>} : memref<1000x128xf32, #tpu.memory_space<vmem>>, vector<1000x128xf32>,
    %get3A_12 = arith.constant 0 : index
    %get3A_13 = arith.constant 0 : index
    %get3A_14 = vector.load %arg3[%get3A_12, %get3A_13] : memref<128x128xf32, #tpu.memory_space<vmem>>, vector<128x128xf32>
    %dot_general3A_15 = arith.constant dense<0.000000e+00> : vector<1000x128xf32>
    %dot_general3A_16 = tpu.matmul %get3A_1, %get3A_14, %dot_general3A_15 {dimension_numbers = #tpu.dot_dimension_numbers<[1], [0], [0], [1], [0, 0, 1, 1], [], []>, transpose_lhs_hint = false} : vector<1000x128xf32>, vector<128x128xf32>, vector<1000x128xf32> -> vector<1000x128xf32>
    %get3A_17 = arith.constant 0 : index
    %get3A_18 = arith.constant 0 : index
    %get3A_19 = vector.load %arg5[%get3A_17, %get3A_18] : memref<1x128xf32, #tpu.memory_space<vmem>>, vector<1x128xf32>
    %add3A_20 = vector.broadcast %get3A_19 : vector<1x128xf32> to vector<1000x128xf32>
    %add3A_21 = arith.addf %dot_general3A_16, %add3A_20 : vector<1000x128xf32>
    %swap3A_22 = arith.constant 0 : index
    %swap3A_23 = arith.constant 0 : index
    %swap3A_24 = vector.load %arg7[%swap3A_22, %swap3A_23] : memref<1000x128xf32, #tpu.memory_space<vmem>>, vector<1000x128xf32>
    tpu.vector_store %arg7[%swap3A_22, %swap3A_23], %add3A_21 {strides = array<i32>} : memref<1000x128xf32, #tpu.memory_space<vmem>>, vector<1000x128xf32>,
    return
  }
  func.func @transform_0(%arg0: i32) -> (i32, i32) {
    %c0_i32 = arith.constant 0 : i32
    %c0_i32_0 = arith.constant 0 : i32
    return %arg0, %c0_i32 : i32, i32
  }
  func.func @transform_1(%arg0: i32) -> (i32, i32) {
    %c0_i32 = arith.constant 0 : i32
    %c0_i32_0 = arith.constant 0 : i32
    %c0_i32_1 = arith.constant 0 : i32
    return %c0_i32, %c0_i32_0 : i32, i32
  }
  func.func @transform_2(%arg0: i32) -> (i32, i32) {
    %c0_i32 = arith.constant 0 : i32
    %c0_i32_0 = arith.constant 0 : i32
    %c0_i32_1 = arith.constant 0 : i32
    return %c0_i32, %c0_i32_0 : i32, i32
  }
  func.func @transform_3(%arg0: i32) -> (i32, i32) {
    %c0_i32 = arith.constant 0 : i32
    %c0_i32_0 = arith.constant 0 : i32
    %c0_i32_1 = arith.constant 0 : i32
    return %c0_i32, %c0_i32_0 : i32, i32
  }
  func.func @transform_4(%arg0: i32) -> (i32, i32) {
    %c0_i32 = arith.constant 0 : i32
    %c0_i32_0 = arith.constant 0 : i32
    %c0_i32_1 = arith.constant 0 : i32
    return %c0_i32, %c0_i32_0 : i32, i32
  }
  func.func @transform_5(%arg0: i32) -> (i32, i32) {
    %c0_i32 = arith.constant 0 : i32
    %c0_i32_0 = arith.constant 0 : i32
    return %arg0, %c0_i32 : i32, i32
  }
  func.func @transform_6(%arg0: i32) -> (i32, i32) {
    %c0_i32 = arith.constant 0 : i32
    %c0_i32_0 = arith.constant 0 : i32
    return %arg0, %c0_i32 : i32, i32
  }
}

module attributes {stable_mosaic.version = 14 : i64} {
  func.func @_mlp_body(%arg0: i32, %arg1: memref<2000x128xf32, #tpu.memory_space<vmem>>, %arg2: memref<2000x128xf32, #tpu.memory_space<vmem>>, %arg3: memref<128x128xf32, #tpu.memory_space<vmem>>, %arg4: memref<128x128xf32, #tpu.memory_space<vmem>>, %arg5: memref<1x128xf32, #tpu.memory_space<vmem>>, %arg6: memref<2000x128xf32, #tpu.memory_space<vmem>>) attributes {dimension_semantics = [#tpu.dimension_semantics<arbitrary>], iteration_bounds = array<i64: 160>, scalar_prefetch = 0 : i64, scratch_operands = 0 : i64, tpu.core_type = #tpu.core_type<tc>, window_params = [{transform_indices = @transform_0, window_bounds = array<i64: 2000, 128>}, {transform_indices = @transform_1, window_bounds = array<i64: 2000, 128>}, {pipeline_mode = #tpu.pipeline_mode<synchronous>, transform_indices = @transform_2, window_bounds = array<i64: 128, 128>}, {pipeline_mode = #tpu.pipeline_mode<synchronous>, transform_indices = @transform_3, window_bounds = array<i64: 128, 128>}, {pipeline_mode = #tpu.pipeline_mode<synchronous>, transform_indices = @transform_4, window_bounds = array<i64: 1, 128>}, {transform_indices = @transform_5, window_bounds = array<i64: 2000, 128>}]} {
    %get3A = arith.constant 0 : index
    %get3A_0 = arith.constant 0 : index
    %get3A_1 = vector.load %arg2[%get3A, %get3A_0] : memref<2000x128xf32, #tpu.memory_space<vmem>>, vector<2000x128xf32>
    %get3A_2 = arith.constant 0 : index
    %get3A_3 = arith.constant 0 : index
    %get3A_4 = vector.load %arg1[%get3A_2, %get3A_3] : memref<2000x128xf32, #tpu.memory_space<vmem>>, vector<2000x128xf32>
    %get3A_5 = arith.constant 0 : index
    %get3A_6 = arith.constant 0 : index
    %get3A_7 = vector.load %arg3[%get3A_5, %get3A_6] : memref<128x128xf32, #tpu.memory_space<vmem>>, vector<128x128xf32>
    %dot_general3A = arith.constant dense<0.000000e+00> : vector<2000x128xf32>
    %dot_general3A_8 = tpu.matmul %get3A_4, %get3A_7, %dot_general3A {dimension_numbers = #tpu.dot_dimension_numbers<[1], [0], [0], [1], [0, 0, 1, 1], [], []>, transpose_lhs_hint = false} : vector<2000x128xf32>, vector<128x128xf32>, vector<2000x128xf32> -> vector<2000x128xf32>
    %add3A = arith.addf %get3A_1, %dot_general3A_8 : vector<2000x128xf32>
    %max3A = arith.constant 0.000000e+00 : f32
    %max3A_9 = vector.broadcast %max3A : f32 to vector<2000x128xf32>
    %max3A_10 = arith.maximumf %add3A, %max3A_9 : vector<2000x128xf32>
    %get3A_11 = arith.constant 0 : index
    %get3A_12 = arith.constant 0 : index
    %get3A_13 = vector.load %arg4[%get3A_11, %get3A_12] : memref<128x128xf32, #tpu.memory_space<vmem>>, vector<128x128xf32>
    %dot_general3A_14 = arith.constant dense<0.000000e+00> : vector<2000x128xf32>
    %dot_general3A_15 = tpu.matmul %max3A_10, %get3A_13, %dot_general3A_14 {dimension_numbers = #tpu.dot_dimension_numbers<[1], [0], [0], [1], [0, 0, 1, 1], [], []>, transpose_lhs_hint = false} : vector<2000x128xf32>, vector<128x128xf32>, vector<2000x128xf32> -> vector<2000x128xf32>
    %get3A_16 = arith.constant 0 : index
    %get3A_17 = arith.constant 0 : index
    %get3A_18 = vector.load %arg5[%get3A_16, %get3A_17] : memref<1x128xf32, #tpu.memory_space<vmem>>, vector<1x128xf32>
    %add3A_19 = vector.broadcast %get3A_18 : vector<1x128xf32> to vector<2000x128xf32>
    %add3A_20 = arith.addf %dot_general3A_15, %add3A_19 : vector<2000x128xf32>
    %swap3A = arith.constant 0 : index
    %swap3A_21 = arith.constant 0 : index
    %swap3A_22 = vector.load %arg6[%swap3A, %swap3A_21] : memref<2000x128xf32, #tpu.memory_space<vmem>>, vector<2000x128xf32>
    tpu.vector_store %arg6[%swap3A, %swap3A_21], %add3A_20 {strides = array<i32>} : memref<2000x128xf32, #tpu.memory_space<vmem>>, vector<2000x128xf32>,
    return
  }
  func.func @transform_0(%arg0: i32) -> (i32, i32) {
    %c0_i32 = arith.constant 0 : i32
    %c0_i32_0 = arith.constant 0 : i32
    return %arg0, %c0_i32 : i32, i32
  }
  func.func @transform_1(%arg0: i32) -> (i32, i32) {
    %c0_i32 = arith.constant 0 : i32
    %c0_i32_0 = arith.constant 0 : i32
    return %arg0, %c0_i32 : i32, i32
  }
  func.func @transform_2(%arg0: i32) -> (i32, i32) {
    %c0_i32 = arith.constant 0 : i32
    %c0_i32_0 = arith.constant 0 : i32
    %c0_i32_1 = arith.constant 0 : i32
    return %c0_i32, %c0_i32_0 : i32, i32
  }
  func.func @transform_3(%arg0: i32) -> (i32, i32) {
    %c0_i32 = arith.constant 0 : i32
    %c0_i32_0 = arith.constant 0 : i32
    %c0_i32_1 = arith.constant 0 : i32
    return %c0_i32, %c0_i32_0 : i32, i32
  }
  func.func @transform_4(%arg0: i32) -> (i32, i32) {
    %c0_i32 = arith.constant 0 : i32
    %c0_i32_0 = arith.constant 0 : i32
    %c0_i32_1 = arith.constant 0 : i32
    return %c0_i32, %c0_i32_0 : i32, i32
  }
  func.func @transform_5(%arg0: i32) -> (i32, i32) {
    %c0_i32 = arith.constant 0 : i32
    %c0_i32_0 = arith.constant 0 : i32
    return %arg0, %c0_i32 : i32, i32
  }
}

module attributes {stable_mosaic.version = 14 : i64} {
  func.func @_comb_body(%arg0: i32, %arg1: memref<2x1000x128xf32, #tpu.memory_space<vmem>>, %arg2: memref<1000x128xf32, #tpu.memory_space<vmem>>) attributes {dimension_semantics = [#tpu.dimension_semantics<arbitrary>], iteration_bounds = array<i64: 10>, scalar_prefetch = 0 : i64, scratch_operands = 0 : i64, tpu.core_type = #tpu.core_type<tc>, window_params = [{transform_indices = @transform_0, window_bounds = array<i64: 2, 1000, 128>}, {transform_indices = @transform_1, window_bounds = array<i64: 1000, 128>}]} {
    %get3A = arith.constant 0 : index
    %get3A_0 = arith.constant 0 : index
    %get3A_1 = arith.constant 0 : index
    %get3A_2 = vector.load %arg1[%get3A, %get3A_0, %get3A_1] : memref<2x1000x128xf32, #tpu.memory_space<vmem>>, vector<1x1000x128xf32>
    %get3A_3 = vector.shape_cast %get3A_2 : vector<1x1000x128xf32> to vector<1000x128xf32>
    %get3A_4 = arith.constant 1 : index
    %get3A_5 = arith.constant 0 : index
    %get3A_6 = arith.constant 0 : index
    %get3A_7 = vector.load %arg1[%get3A_4, %get3A_5, %get3A_6] : memref<2x1000x128xf32, #tpu.memory_space<vmem>>, vector<1x1000x128xf32>
    %get3A_8 = vector.shape_cast %get3A_7 : vector<1x1000x128xf32> to vector<1000x128xf32>
    %add3A = arith.addf %get3A_3, %get3A_8 : vector<1000x128xf32>
    %swap3A = arith.constant 0 : index
    %swap3A_9 = arith.constant 0 : index
    %swap3A_10 = vector.load %arg2[%swap3A, %swap3A_9] : memref<1000x128xf32, #tpu.memory_space<vmem>>, vector<1000x128xf32>
    tpu.vector_store %arg2[%swap3A, %swap3A_9], %add3A {strides = array<i32>} : memref<1000x128xf32, #tpu.memory_space<vmem>>, vector<1000x128xf32>,
    return
  }
  func.func @transform_0(%arg0: i32) -> (i32, i32, i32) {
    %c0_i32 = arith.constant 0 : i32
    %c0_i32_0 = arith.constant 0 : i32
    %c0_i32_1 = arith.constant 0 : i32
    return %c0_i32, %arg0, %c0_i32_0 : i32, i32, i32
  }
  func.func @transform_1(%arg0: i32) -> (i32, i32) {
    %c0_i32 = arith.constant 0 : i32
    %c0_i32_0 = arith.constant 0 : i32
    return %arg0, %c0_i32 : i32, i32
  }
}

</mosaic_0001>

<sc_bundles>
// kernel: kernel.10.cloned.1.call-start
scs
__scs_entry_jumppad:
0x0: {  	(pc) =	sbr.rel $0x88, $3  }
0x1: {  	(tag) =	ssettag $0x0;
	lr =	simm.s32 $0x1  }
0x2: {  	[smem:$0x3F97] =	sst lr;
	_ =	strace $0xD0000000  }
0x3: {  	_ = 	snop  }
0x4: {  	_ = 	snop  }
0x5: {  	_ = 	snop  }
0x6: {  	_ = 	snop  }
0x7: {  	_ = 	snop  }
__scs_overlays_trampoline_lowered:
0x8: {  	[smem:$0x3FA6] =	sst s0  }
0x9: {  	[smem:$0x3FA7] =	sst s1  }
0xa: {  	[smem:$0x3FA8] =	sst s2  }
0xb: {  	[smem:$0x3FA9] =	sst s3  }
0xc: {  	[smem:$0x3FAA] =	sst s4  }
0xd: {  	[smem:$0x3FAB] =	sst s5  }
0xe: {  	[smem:$0x3FAC] =	sst s6  }
0xf: {  	[smem:$0x3FAD] =	sst s7  }
0x10: {  	[smem:$0x3FAE] =	sst s8  }
0x11: {  	[smem:$0x3FAF] =	sst s9;
	s0 =	simm.s32 @!p0 $0x0  }
0x12: {  	s1 =	sld [smem:$0x3F95];
	s0 =	simm.s32 @p0 $0x1  }
0x13: {  	[smem:$0x3FB0] =	sst s0;
	s0 =	simm.s32 @!p1 $0x0  }
0x14: {  	s2 =	sld [smem:$0x3F94];
	s0 =	simm.s32 @p1 $0x1  }
0x15: {  	[smem:$0x3FB1] =	sst s0;
	s0 =	simm.s32 @!p2 $0x0  }
0x16: {  	s3 =	sld [smem:$0x3FDB];
	s0 =	simm.s32 @p2 $0x1  }
0x17: {  	s4 =	simm.s32 $0x1BF5;
	[smem:$0x3FB3] =	sst s0  }
0x18: {  	s0 =	sld [smem:$0x3F96];
	_ =	swait.ge [sflag:s4], $0x0  }
0x19: {  	s7 =	sld [smem:$0x3F97]  }
0x1a: {  	s8 =	sadd.s32 $0xFFFFE003, lr  }
0x1b: {  	s9 =	sadd.s32 $0xFFFFFEF7, lr;
	s5 =	simm.s32 $0xFFFFFFFF;
	p2 =	slt.u32 s8, $0xFFFFF086  }
0x1c: {  	p1 =	slt.u32 s9, $0xF7A;
	s5 =	simm.s32 @!p2 $0x0  }
0x1d: {  	s5 =	simm.s32 @p1 $0x1;
	p0 =	seq.s32 s7, s2  }
0x1e: {  	s7 =	smul.u32 @!p0 $0xF7A, s2;
	p2 =	seq.s32 @!p0 s5, $0x0  }
0x1f: {  	s9 =	smul.u32 $0xF7A, s1;
	s8 =	simm.s32 @!p0 $0x1BF5;
	p2 =	por !p2, p0  }
0x20: {  	[sflag:s8] =	ssyncset.s32 @!p0 $0xFFFFF086;
	s6 =	sadd.s32 @!p0 s3, s7;
	s7 =	simm.s32 @!p0 $0x108  }
0x21: {  	s3 =	sadd.s32 s3, s9;
	s6 =	sadd.s32 @!p0 $0x88, s6;
	s7 =	simm.s32 @p2 $0x1082  }
0x22: {  	[simem:s7], [sflag:s8] =	dma.local @!p0 [hbm:s6], $0xF7A  }
0x23: {  	s9 =	sor.u32 $0xD0000000, s2;
	s6 =	simm.s32 $0x108;
	_ =	swait.ge @!p0 [sflag:s8], $0x0  }
0x24: {  	s3 =	sadd.s32 $0x88, s3;
	s6 =	simm.s32 @!p1 $0x1082;
	[sflag:s4] =	ssyncset.s32 $0xFFFFF086  }
0x25: {  	[simem:s6], [sflag:s4] =	dma.local [hbm:s3], $0xF7A  }
0x26: {  	[smem:$0x3F97] =	sst s1;
	(tag) =	ssettag s2;
	_ =	strace s9  }
0x27: {  	s1 =	sld [smem:$0x3FA7]  }
0x28: {  	s2 =	sld [smem:$0x3FA8]  }
0x29: {  	s4 =	sld [smem:$0x3FAA]  }
0x2a: {  	p0 =	seq.s32 s5, $0x0;
	s5 =	sld [smem:$0x3FAB]  }
0x2b: {  	s6 =	sld [smem:$0x3FAC]  }
0x2c: {  	s7 =	sld [smem:$0x3FAD]  }
0x2d: {  	s3 =	simm.s32 $0x108;
	s8 =	sld [smem:$0x3FAE]  }
0x2e: {  	s3 =	simm.s32 @!p0 $0x1082;
	s9 =	sld [smem:$0x3FAF]  }
0x2f: {  	lr =	sadd.s32 s0, s3;
	s0 =	sld [smem:$0x3FA6]  }
0x30: {  	s3 =	sld [smem:$0x3FA9]  }
0x31: {  	[smem:$0x3FB2] =	sst s10  }
0x32: {  	s10 =	sld [smem:$0x3FB0];
	_ =	sdelay $0x3  }
0x33: {  	p0 =	seq.s32 s10, $0x1;
	s10 =	sld [smem:$0x3FB2];
	_ =	sdelay $0x3  }
0x34: {  	[smem:$0x3FB2] =	sst s10  }
0x35: {  	s10 =	sld [smem:$0x3FB1];
	_ =	sdelay $0x3  }
0x36: {  	p1 =	seq.s32 s10, $0x1;
	s10 =	sld [smem:$0x3FB2];
	_ =	sdelay $0x3  }
0x37: {  	[smem:$0x3FB2] =	sst s10  }
0x38: {  	s10 =	sld [smem:$0x3FB3]  }
0x39: {  	_ = 	snop;
	(pc) =	sbr.ind lr, $3  }
0x3a: {  	_ = 	snop  }
0x3b: {  	_ = 	snop  }
0x3c: {  	p2 =	seq.s32 s10, $0x1;
	s10 =	sld [smem:$0x3FB2]  }
0x3d: {  	_ =	shalt  }
0x3e: {  	_ =	shalt  }
0x3f: {  	_ =	shalt  }
0x40: {  	_ =	shalt  }
0x41: {  	_ =	shalt  }
0x42: {  	_ =	shalt  }
0x43: {  	_ =	shalt  }
0x44: {  	_ =	shalt  }
0x45: {  	_ =	shalt  }
0x46: {  	_ =	shalt  }
0x47: {  	_ =	shalt  }
0x48: {  	_ =	shalt  }
0x49: {  	_ =	shalt  }
0x4a: {  	_ =	shalt  }
0x4b: {  	_ =	shalt  }
0x4c: {  	_ =	shalt  }
0x4d: {  	_ =	shalt  }
0x4e: {  	_ =	shalt  }
0x4f: {  	_ =	shalt  }
0x50: {  	_ =	shalt  }
0x51: {  	_ =	shalt  }
0x52: {  	_ =	shalt  }
0x53: {  	_ =	shalt  }
0x54: {  	_ =	shalt  }
0x55: {  	_ =	shalt  }
0x56: {  	_ =	shalt  }
0x57: {  	_ =	shalt  }
0x58: {  	_ =	shalt  }
0x59: {  	_ =	shalt  }
0x5a: {  	_ =	shalt  }
0x5b: {  	_ =	shalt  }
0x5c: {  	_ =	shalt  }
0x5d: {  	_ =	shalt  }
0x5e: {  	_ =	shalt  }
0x5f: {  	_ =	shalt  }
0x60: {  	_ =	shalt  }
0x61: {  	_ =	shalt  }
0x62: {  	_ =	shalt  }
0x63: {  	_ =	shalt  }
0x64: {  	_ =	shalt  }
0x65: {  	_ =	shalt  }
0x66: {  	_ =	shalt  }
0x67: {  	_ =	shalt  }
0x68: {  	_ =	shalt  }
0x69: {  	_ =	shalt  }
0x6a: {  	_ =	shalt  }
0x6b: {  	_ =	shalt  }
0x6c: {  	_ =	shalt  }
0x6d: {  	_ =	shalt  }
0x6e: {  	_ =	shalt  }
0x6f: {  	_ =	shalt  }
0x70: {  	_ =	shalt  }
0x71: {  	_ =	shalt  }
0x72: {  	_ =	shalt  }
0x73: {  	_ =	shalt  }
0x74: {  	_ =	shalt  }
0x75: {  	_ =	shalt  }
0x76: {  	_ =	shalt  }
0x77: {  	_ =	shalt  }
0x78: {  	_ =	shalt  }
0x79: {  	_ =	shalt  }
0x7a: {  	_ =	shalt  }
0x7b: {  	_ =	shalt  }
0x7c: {  	_ =	shalt  }
0x7d: {  	_ =	shalt  }
0x7e: {  	_ =	shalt  }
0x7f: {  	_ =	shalt  }
0x80: {  	_ =	shalt  }
0x81: {  	_ =	shalt  }
0x82: {  	_ =	shalt  }
0x83: {  	_ =	shalt  }
0x84: {  	_ =	shalt  }
0x85: {  	_ =	shalt  }
0x86: {  	_ =	shalt  }
0x87: {  	_ =	shalt  }
.Lfunc_end0:
.L_simem_size_0:
called_computation.1_lowered:
.L_overlay_start_0:
0x88: {  	s2 =	sld [smem:$0x3FD9]  }
0x89: {  	s3 =	sld [smem:$0x3FFE];
	_ =	sdelay $0x1  }
0x8a: {  	s1 =	srdreg.scid  }
0x8b: {  	s0 =	sand.u32 $0x1, s1  }
0x8c: {  	s14 =	sshll.u32 s0, $0xA;
	s2 =	sadd.s32 s3, s2  }
0x8d: {  	s2 =	sadd.s32 s2, s14  }
0x8e: {  	[smem:$0x3FBE] =	sst s2  }
0x8f: {  	_ = 	snop  }
0x90: {  	s2 =	sld [smem:$0x3FD0];
	_ =	sdelay $0x2  }
0x91: {  	s15 =	simm.s32 $0xA;
	s4 =	simm.s32 $0x10  }
0x92: {  	[smem:s4], [sflag:s15] =	dma.local [hbm:s2], $0x1  }
0x93: {  	_ =	swait.eq [sflag:s15], $0x1  }
0x94: {  	[sflag:s15] =	ssyncset.done $0x0  }
0x95: {  	[sflag:s15] =	ssyncadd.s32 $0xFFFFFFFF  }
0x96: {  	s16 =	sld [smem:$0x11];
	(tm) =	ssettm $0x1  }
0x97: {  	s17 =	sld [smem:$0x3FFB];
	_ =	sdelay $0x3  }
0x98: {  	_ =	strace s17  }
0x99: {  	s3 =	sld [smem:$0x3FFC];
	_ =	sdelay $0x3  }
0x9a: {  	_ =	strace s3  }
0x9b: {  	s3 =	sld [smem:$0x3FFD];
	_ =	sdelay $0x3  }
0x9c: {  	_ =	strace s3  }
0x9d: {  	_ =	strace $0x8FFFFFFF  }
0x9e: {  	s18 =	sld [smem:$0x3FDB];
	_ =	sdelay $0x1  }
0x9f: {  	s19 =	simm.s32 $_scs_section_size  }
0xa0: {  	s5 =	simm.s32 $_size__tile_overlayer_lowered;
	s6 =	simm.s32 $_tile_overlayer_lowered  }
0xa1: {  	s22 =	simm.s32 $0x1BFF;
	s21 =	sshll.u32 s6, $0x1;
	s3 =	sadd.s32 s19, s18  }
0xa2: {  	s7 =	simm.s32 $0x0;
	s20 =	sshll.u32 s5, $0x1;
	s5 =	sadd.s32 s21, s3  }
0xa3: {  	[timem:s7], [sflag:s22] =	dma.local [hbm:s5], s20  }
0xa4: {  	_ =	swait.ge [sflag:s22], s20  }
0xa5: {  	s4 =	ssub.s32 $0x0, s20;
	[sflag:s22] =	ssyncset.done $0x0  }
0xa6: {  	[sflag:s22] =	ssyncadd.s32 s4;
	_ =	sdelay $0x1  }
0xa7: {  	s23 =	simm.s32 $0x1B8B  }
0xa8: {  	_ =	swait.ge [sflag:s23], $0x1  }
0xa9: {  	[sflag:s23] =	ssyncset.done $0x0  }
0xaa: {  	s25 =	simm.s32 $0x1B8E;
	s24 =	sld [smem:$0x3FFE];
	[sflag:s23] =	ssyncadd.s32 $0xFFFFFFFF  }
0xab: {  	s26 =	simm.s32 $execute0_lowered;
	[smem:$0x3FD2] =	sst s25  }
0xac: {  	s5 =	sshll.u32 s26, $0x1;
	_ =	strace $0x80000049;
	[dreg:$0x1] =	wrdreg $0xFFFFFFFF  }
0xad: {  	s28 =	simm.s32 $_size_execute0_lowered;
	s3 =	sadd.s32 s3, s5;
	[dreg:$0x0] =	wrdreg $0x0  }
0xae: {  	s5 =	sshll.u32 s28, $0x1;
	[dreg:$0x2] =	wrdreg s3  }
0xaf: {  	[dreg:$0x3] =	wrdreg s5  }
0xb0: {  	[dreg:$0x4] =	wrdreg $0xC0  }
0xb1: {  	_ =	task [dreg:s7], $0x5FFFF  }
0xb2: {  	[dreg:$0x1] =	wrdreg $0xFFFFFFFF  }
0xb3: {  	[dreg:$0x0] =	wrdreg $0x60  }
0xb4: {  	[dreg:$0x2] =	wrdreg s16  }
0xb5: {  	[dreg:$0x3] =	wrdreg s24  }
0xb6: {  	[dreg:$0x4] =	wrdreg $0xA8000  }
0xb7: {  	[dreg:$0x5] =	wrdreg $0x9  }
0xb8: {  	_ =	task.clear_ibuf [dreg:s7], $0x6FFFF;
	_ =	strace $0x90000049  }
0xb9: {  	s29 =	simm.s32 $0x9;
	_ =	strace $0x8000004B  }
0xba: {  	_ =	swait.ge [sflag:s29], $0x1  }
0xbb: {  	[sflag:s29] =	ssyncadd.s32 $0xFFFFFFFF  }
0xbc: {  	_ =	strace $0x9000004B  }
0xbd: {  	_ =	sfence  }
0xbe: {  	s30 =	sld [smem:$0x0];
	_ =	sdelay $0x2  }
0xbf: {  	s31 =	sshll.u32 s1, $0xD;
	s1 =	sshrl.u32 s1, $0x2  }
0xc0: {  	s3 =	sand.u32 $0x4000, s31;
	s1 =	sadd.s32 s1, s30  }
0xc1: {  	s0 =	sor.u32 s3, s0;
	s1 =	sshll.u32 s1, $0x11  }
0xc2: {  	s0 =	sor.u32 s1, s0  }
0xc3: {  	s0 =	sadd.s32 $0x8F2B, s0  }
0xc4: {  	[sflag:s0] =	ssyncadd.remote.s32 $0x1  }
0xc5: {  	_ =	sfence.sel $0xFFFF  }
0xc6: {  	[dreg:$0x0] =	wrdreg $0xFFFFFFFF;
	(pc) =	sbr.abs _section_cstart, $3  }
0xc7: {  	[dreg:$0x1] =	wrdreg $0xFFFFFFFF  }
0xc8: {  	_ =	task.clear_ibuf [dreg:s7], $0x2FFFF;
	_ =	strace $0x9FFFFFFF  }
0xc9: {  	(tm) =	ssettm $0x7FFFFFFF  }
tec
execute0_lowered:
.L_overlay_start_1:
0x0: {  	(tag) =	ssettag $0x1  }
0x1: {  	s11 =	rddreg [dreg:$0x0]  }
0x2: {  	s4 =	rddreg [dreg:$0x1]  }
0x3: {  	s2 =	rddreg [dreg:$0x2];
	s1 =	stileid.u32  }
0x4: {  	s0 =	rddreg [dreg:$0x3];
	s24 =	smul.u32 $0x50000, s1  }
0x5: {  	s5 =	srdreg.scid;
	s13 =	smul.u32 $0x280, s1  }
0x6: {  	s3 =	simm.s32 $0x0;
	s12 =	sand.u32 $0x1, s5;
	s16 =	smul.u32 $0x2800, s1  }
0x7: {  	s23 =	sshll.u32 s1, $0xC;
	[smem:$0x7FF] =	sst s3;
	s30 =	smul.u32 $0x4E200, s1  }
0x8: {  	s6 =	sshll.u32 s12, $0xB;
	s7 =	smul.u32 $0x28000, s12;
	_ =	strace $0x8000004A  }
0x9: {  	s8 =	ssub.s32 $0x2, s12;
	s12 =	smul.u32 $0x27100, s12;
	s5 =	sor.u32 s6, s23  }
0xa: {  	s25 =	sshrl.u32 s8, $0x1;
	s6 =	sshrl.u32 s24, $0x2;
	s14 =	sadd.s32 $0x80, s13  }
0xb: {  	s26 =	sadd.s32 $0x100, s13;
	s19 =	sadd.s32 $0x180, s13;
	s13 =	sadd.s32 $0x200, s13  }
0xc: {  	s11 =	sadd.s32 s30, s11;
	s5 =	sadd.s32 s5, s4;
	s7 =	sadd.s32 s7, s4  }
0xd: {  	s8 =	ssub.s32 s8, s25;
	s4 =	sadd.s32 s6, s2;
	s15 =	sshll.u32 s14, $0x7  }
0xe: {  	s17 =	sshll.u32 s14, $0x4;
	s28 =	sshll.u32 s26, $0x7;
	s21 =	sshll.u32 s26, $0x4  }
0xf: {  	s29 =	sshll.u32 s19, $0x7;
	s24 =	sshll.u32 s19, $0x4;
	s31 =	sshll.u32 s13, $0x7  }
0x10: {  	s26 =	sshll.u32 s13, $0x4;
	s11 =	sadd.s32 s12, s11;
	s12 =	simm.s32 $0x6800  }
0x11: {  	s13 =	simm.s32 $0x1;
	s14 =	simm.s32 $0x4000;
	s5 =	sadd.s32 $0x4F7400, s5  }
0x12: {  	s23 =	sadd.s32 $0x1800, s7;
	s6 =	smax.u32 s8, $0x1;
	s7 =	sadd.s32 $0x4000, s4  }
0x13: {  	s8 =	sadd.s32 $0x8000, s4;
	s9 =	sadd.s32 $0xC000, s4;
	s10 =	sadd.s32 $0x10000, s4  }
0x14: {  	s18 =	sadd.s32 s15, s2;
	s20 =	sadd.s32 s28, s2;
	s22 =	sadd.s32 s29, s2  }
0x15: {  	s25 =	sadd.s32 s31, s2;
	s15 =	simm.s32 $0x50;
	s16 =	sadd.s32 s16, s23  }
0x16: {  	s17 =	sadd.s32 s17, s23;
	s18 =	sshrl.u32 s18, $0x3;
	s19 =	sadd.s32 s21, s23  }
0x17: {  	s20 =	sshrl.u32 s20, $0x3;
	s21 =	sadd.s32 s24, s23;
	s22 =	sshrl.u32 s22, $0x3  }
0x18: {  	v0 =	vimm.f32 $0.0e+00;
	s23 =	sadd.s32 s26, s23;
	s24 =	sshrl.u32 s25, $0x3;
	s25 =	simm.s32 $0x0  }
.LBB2_1:
0x19: {  	s26 =	simm.s32 $0x0;
	s28 =	simm.s32 $0x200  }
.LBB2_2:
0x1a: {  	p0 =	sne.s32 s28, $0xFE00;
	[tilespmem:s26+$0x6870] =	vst v0  }
0x1b: {  	[tilespmem:s26+$0x6800] =	vst v0  }
0x1c: {  	[tilespmem:s26+$0x6810] =	vst v0  }
.Ltmp0:
0x1d: {  	[tilespmem:s26+$0x6820] =	vst v0;
	(pc) =	sbr.rel @p0 .LBB2_2-.Ltmp0, $4  }
0x1e: {  	[tilespmem:s26+$0x6830] =	vst v0  }
0x1f: {  	[tilespmem:s26+$0x6840] =	vst v0  }
0x20: {  	[tilespmem:s26+$0x6850] =	vst v0  }
0x21: {  	[tilespmem:s26+$0x6860] =	vst v0;
	s26 =	sshra.s32 s28, $0x2;
	s28 =	sadd.s32 $0x200, s28  }
0x22: {  	[tilespmem:s26+$0x6870] =	vst v0  }
0x23: {  	[tilespmem:s26+$0x6800] =	vst v0  }
0x24: {  	[tilespmem:s26+$0x6810] =	vst v0  }
0x25: {  	[tilespmem:s26+$0x6820] =	vst v0  }
0x26: {  	[tilespmem:s26+$0x6830] =	vst v0  }
0x27: {  	[tilespmem:s26+$0x6840] =	vst v0  }
0x28: {  	[tilespmem:s26+$0x6850] =	vst v0  }
0x29: {  	[tilespmem:s26+$0x6860] =	vst v0  }
0x2a: {  	[spmem:s4] =	stream.linear.scatter [tilespmem:s12], [sflag:$0x1], $0x4000, $0x38;
	[tilespmem:$0x1E800] =	vst v63  }
0x2b: {  	_ =	swait.ge [sflag:s13], $0x4000  }
0x2c: {  	[sflag:s13] =	ssyncset.done $0x0  }
0x2d: {  	[sflag:s13] =	ssyncadd.s32 $0xFFFFC000  }
0x2e: {  	[spmem:s7] =	stream.linear.scatter [tilespmem:s12], [sflag:$0x1], $0x4000, $0x38;
	[tilespmem:$0x1E800] =	vst v63  }
0x2f: {  	_ =	swait.ge [sflag:s13], $0x4000  }
0x30: {  	[sflag:s13] =	ssyncset.done $0x0  }
0x31: {  	[sflag:s13] =	ssyncadd.s32 $0xFFFFC000  }
0x32: {  	[spmem:s8] =	stream.linear.scatter [tilespmem:s12], [sflag:$0x1], $0x4000, $0x38;
	[tilespmem:$0x1E800] =	vst v63  }
0x33: {  	_ =	swait.ge [sflag:s13], $0x4000  }
0x34: {  	[sflag:s13] =	ssyncset.done $0x0  }
0x35: {  	[sflag:s13] =	ssyncadd.s32 $0xFFFFC000  }
0x36: {  	[spmem:s9] =	stream.linear.scatter [tilespmem:s12], [sflag:$0x1], $0x4000, $0x38;
	[tilespmem:$0x1E800] =	vst v63  }
0x37: {  	_ =	swait.ge [sflag:s13], $0x4000  }
0x38: {  	[sflag:s13] =	ssyncset.done $0x0  }
0x39: {  	[sflag:s13] =	ssyncadd.s32 $0xFFFFC000  }
0x3a: {  	[spmem:s10] =	stream.linear.scatter [tilespmem:s12], [sflag:$0x1], $0x4000, $0x38;
	[tilespmem:$0x1E800] =	vst v63  }
0x3b: {  	_ =	swait.ge [sflag:s13], $0x4000  }
0x3c: {  	[sflag:s13] =	ssyncset.done $0x0  }
0x3d: {  	[sflag:s13] =	ssyncadd.s32 $0xFFFFC000  }
0x3e: {  	s30 =	simm.s32 $0x0;
	[bflag:$0x0] =	sbarrier.arrive $0xFFFF  }
0x3f: {  	[tilespmem:s30], [sflag:$0x1] =	stream.linear.gather [hbm4b:s5+s30], $0x3E80, $0x38;
	[tilespmem:$0x1E800] =	vst v63  }
0x40: {  	_ =	swait.ge [sflag:s13], $0x3E80  }
0x41: {  	[sflag:s13] =	ssyncset.done $0x0  }
0x42: {  	[sflag:s13] =	ssyncadd.s32 $0xFFFFC180  }
0x43: {  	[tilespmem:s14], [sflag:$0x1] =	stream.linear.gather [hbm4b:s11+s3], $0x2800, $0x38;
	[tilespmem:$0x1E800] =	vst v63  }
0x44: {  	_ =	swait.ge [sflag:s13], $0x2800  }
0x45: {  	[sflag:s13] =	ssyncset.done $0x0  }
0x46: {  	s31 =	simm.s32 $0x0;
	[sflag:s13] =	ssyncadd.s32 $0xFFFFD800  }
0x47: {  	[spmem:s2] =	stream.indirect.scatter.add.f32 [tilespmem:s14], [sflag:$0x1], $0x80, s31, s15, $0xb8;
	[tilespmem:$0x1E800] =	vst v63  }
0x48: {  	_ =	swait.ge [sflag:s13], $0x2800  }
0x49: {  	s26 =	simm.s32 $0x200;
	s28 =	smov.u32 s11;
	[sflag:s13] =	ssyncset.done $0x0  }
.LBB2_4:
0x4a: {  	p0 =	sne.s32 s26, $0xF800;
	[sflag:s13] =	ssyncadd.s32 $0xFFFFD800;
	s28 =	sadd.s32 $0x500, s28  }
0x4b: {  	[tilespmem:s14], [sflag:$0x1] =	stream.linear.gather [hbm4b:s28+s3], $0x2800, $0x38;
	[tilespmem:$0x1E800] =	vst v63  }
0x4c: {  	s29 =	smov.u32 s26;
	s26 =	sadd.s32 $0x200, s26;
	_ =	swait.ge [sflag:s13], $0x2800  }
.Ltmp1:
0x4d: {  	[sflag:s13] =	ssyncset.done $0x0;
	(pc) =	sbr.rel @p0 .LBB2_4-.Ltmp1, $4  }
0x4e: {  	s29 =	sshra.s32 s29, $0x2;
	[sflag:s13] =	ssyncadd.s32 $0xFFFFD800  }
0x4f: {  	[spmem:s2] =	stream.indirect.scatter.add.f32 [tilespmem:s14], [sflag:$0x1], $0x80, s29, s15, $0xb8;
	[tilespmem:$0x1E800] =	vst v63  }
0x50: {  	_ =	swait.ge [sflag:s13], $0x2800  }
0x51: {  	[sflag:s13] =	ssyncset.done $0x0  }
0x52: {  	[sflag:s13] =	ssyncadd.s32 $0xFFFFD800;
	s26 =	sshll.u32 s1, $0x6  }
0x53: {  	s28 =	sshrl.u32 s4, $0x3;
	[bflag:$0x0] =	sbarrier.arrive $0xFFFF;
	s26 =	sor.u32 $0x1C01, s26  }
0x54: {  	[hbm:s16], [sflag:s26] =	dma.local [spmem:s28], $0x800  }
0x55: {  	_ =	swait.ge [sflag:s13], $0x800  }
0x56: {  	[sflag:s13] =	ssyncset.done $0x0  }
0x57: {  	[sflag:s13] =	ssyncadd.s32 $0xFFFFF800  }
0x58: {  	[hbm:s17], [sflag:s26] =	dma.local [spmem:s18], $0x800  }
0x59: {  	_ =	swait.ge [sflag:s13], $0x800  }
0x5a: {  	[sflag:s13] =	ssyncset.done $0x0  }
0x5b: {  	[sflag:s13] =	ssyncadd.s32 $0xFFFFF800  }
0x5c: {  	[hbm:s19], [sflag:s26] =	dma.local [spmem:s20], $0x800  }
0x5d: {  	_ =	swait.ge [sflag:s13], $0x800  }
0x5e: {  	[sflag:s13] =	ssyncset.done $0x0  }
0x5f: {  	[sflag:s13] =	ssyncadd.s32 $0xFFFFF800  }
0x60: {  	[hbm:s21], [sflag:s26] =	dma.local [spmem:s22], $0x800  }
0x61: {  	s25 =	sadd.s32 $0x1, s25;
	_ =	swait.ge [sflag:s13], $0x800  }
0x62: {  	p0 =	sne.s32 s25, s6;
	[sflag:s13] =	ssyncset.done $0x0  }
.Ltmp2:
0x63: {  	[sflag:s13] =	ssyncadd.s32 $0xFFFFF800;
	(pc) =	sbr.rel @p0 .LBB2_1-.Ltmp2, $4  }
0x64: {  	[hbm:s23], [sflag:s26] =	dma.local [spmem:s24], $0x800  }
0x65: {  	_ =	swait.ge [sflag:s13], $0x800  }
0x66: {  	[sflag:s13] =	ssyncset.done $0x0  }
0x67: {  	[sflag:s13] =	ssyncadd.s32 $0xFFFFF800  }
0x68: {  	_ =	sfence.sel $0x180000  }
0x69: {  	[bflag:$0x0] =	sbarrier.arrive $0xFFFF  }
0x6a: {  	p0 =	sne.s32 s1, $0x0;
	_ =	strace $0x9000004A  }
0x6b: {  	s0 =	sadd.s32 @!p0 $0x100000, s0;
	[bflag:$0x2] =	sbarrier.arrive $0xFFFF  }
0x6c: {  	[sflag:s0] =	ssyncadd.tile.s32 @!p0 $0x1;
	_ =	shalt  }
.Lfunc_end2:
_tile_overlayer_lowered:
.L_overlay_start_2:
0x6d: {  	(tag) =	ssettag $0x2  }
0x6e: {  	s0 =	rddreg [dreg:$0x0];
	s2 =	stileid.u32  }
0x6f: {  	s1 =	rddreg [dreg:$0x1];
	p0 =	sne.s32 s2, $0x0  }
0x70: {  	s3 =	rddreg [dreg:$0x2];
	[bflag:$0x3] =	sbarrier.arrive $0xFFFF;
	s2 =	simm.s32 @!p0 $0x1C01  }
0x71: {  	[timem:s3], [sflag:s2] =	dma.local @!p0 [hbm:s0], s1  }
0x72: {  	s0 =	simm.s32 @!p0 $0x1  }
0x73: {  	_ =	swait.ge @!p0 [sflag:s0], s1  }
0x74: {  	s1 =	ssub.s32 @!p0 $0x0, s1;
	[sflag:s0] =	ssyncset.done @!p0 $0x0  }
0x75: {  	[sflag:s0] =	ssyncadd.s32 @!p0 s1  }
0x76: {  	[bflag:$0x3] =	sbarrier.arrive $0xFFFF  }
0x77: {  	_ =	shalt  }

// kernel: kernel.7.cloned.1.call-start
scs
__scs_entry_jumppad:
0x0: {  	(pc) =	sbr.rel $0x88, $3  }
0x1: {  	(tag) =	ssettag $0x0;
	lr =	simm.s32 $0x1  }
0x2: {  	[smem:$0x3F97] =	sst lr;
	_ =	strace $0xD0000000  }
0x3: {  	_ = 	snop  }
0x4: {  	_ = 	snop  }
0x5: {  	_ = 	snop  }
0x6: {  	_ = 	snop  }
0x7: {  	_ = 	snop  }
__scs_overlays_trampoline_lowered:
0x8: {  	[smem:$0x3FA6] =	sst s0  }
0x9: {  	[smem:$0x3FA7] =	sst s1  }
0xa: {  	[smem:$0x3FA8] =	sst s2  }
0xb: {  	[smem:$0x3FA9] =	sst s3  }
0xc: {  	[smem:$0x3FAA] =	sst s4  }
0xd: {  	[smem:$0x3FAB] =	sst s5  }
0xe: {  	[smem:$0x3FAC] =	sst s6  }
0xf: {  	[smem:$0x3FAD] =	sst s7  }
0x10: {  	[smem:$0x3FAE] =	sst s8  }
0x11: {  	[smem:$0x3FAF] =	sst s9;
	s0 =	simm.s32 @!p0 $0x0  }
0x12: {  	s1 =	sld [smem:$0x3F95];
	s0 =	simm.s32 @p0 $0x1  }
0x13: {  	[smem:$0x3FB0] =	sst s0;
	s0 =	simm.s32 @!p1 $0x0  }
0x14: {  	s2 =	sld [smem:$0x3F94];
	s0 =	simm.s32 @p1 $0x1  }
0x15: {  	[smem:$0x3FB1] =	sst s0;
	s0 =	simm.s32 @!p2 $0x0  }
0x16: {  	s3 =	sld [smem:$0x3FDB];
	s0 =	simm.s32 @p2 $0x1  }
0x17: {  	s4 =	simm.s32 $0x1BF5;
	[smem:$0x3FB3] =	sst s0  }
0x18: {  	s0 =	sld [smem:$0x3F96];
	_ =	swait.ge [sflag:s4], $0x0  }
0x19: {  	s7 =	sld [smem:$0x3F97]  }
0x1a: {  	s8 =	sadd.s32 $0xFFFFE003, lr  }
0x1b: {  	s9 =	sadd.s32 $0xFFFFFEF7, lr;
	s5 =	simm.s32 $0xFFFFFFFF;
	p2 =	slt.u32 s8, $0xFFFFF086  }
0x1c: {  	p1 =	slt.u32 s9, $0xF7A;
	s5 =	simm.s32 @!p2 $0x0  }
0x1d: {  	s5 =	simm.s32 @p1 $0x1;
	p0 =	seq.s32 s7, s2  }
0x1e: {  	s7 =	smul.u32 @!p0 $0xF7A, s2;
	p2 =	seq.s32 @!p0 s5, $0x0  }
0x1f: {  	s9 =	smul.u32 $0xF7A, s1;
	s8 =	simm.s32 @!p0 $0x1BF5;
	p2 =	por !p2, p0  }
0x20: {  	[sflag:s8] =	ssyncset.s32 @!p0 $0xFFFFF086;
	s6 =	sadd.s32 @!p0 s3, s7;
	s7 =	simm.s32 @!p0 $0x108  }
0x21: {  	s3 =	sadd.s32 s3, s9;
	s6 =	sadd.s32 @!p0 $0x88, s6;
	s7 =	simm.s32 @p2 $0x1082  }
0x22: {  	[simem:s7], [sflag:s8] =	dma.local @!p0 [hbm:s6], $0xF7A  }
0x23: {  	s9 =	sor.u32 $0xD0000000, s2;
	s6 =	simm.s32 $0x108;
	_ =	swait.ge @!p0 [sflag:s8], $0x0  }
0x24: {  	s3 =	sadd.s32 $0x88, s3;
	s6 =	simm.s32 @!p1 $0x1082;
	[sflag:s4] =	ssyncset.s32 $0xFFFFF086  }
0x25: {  	[simem:s6], [sflag:s4] =	dma.local [hbm:s3], $0xF7A  }
0x26: {  	[smem:$0x3F97] =	sst s1;
	(tag) =	ssettag s2;
	_ =	strace s9  }
0x27: {  	s1 =	sld [smem:$0x3FA7]  }
0x28: {  	s2 =	sld [smem:$0x3FA8]  }
0x29: {  	s4 =	sld [smem:$0x3FAA]  }
0x2a: {  	p0 =	seq.s32 s5, $0x0;
	s5 =	sld [smem:$0x3FAB]  }
0x2b: {  	s6 =	sld [smem:$0x3FAC]  }
0x2c: {  	s7 =	sld [smem:$0x3FAD]  }
0x2d: {  	s3 =	simm.s32 $0x108;
	s8 =	sld [smem:$0x3FAE]  }
0x2e: {  	s3 =	simm.s32 @!p0 $0x1082;
	s9 =	sld [smem:$0x3FAF]  }
0x2f: {  	lr =	sadd.s32 s0, s3;
	s0 =	sld [smem:$0x3FA6]  }
0x30: {  	s3 =	sld [smem:$0x3FA9]  }
0x31: {  	[smem:$0x3FB2] =	sst s10  }
0x32: {  	s10 =	sld [smem:$0x3FB0];
	_ =	sdelay $0x3  }
0x33: {  	p0 =	seq.s32 s10, $0x1;
	s10 =	sld [smem:$0x3FB2];
	_ =	sdelay $0x3  }
0x34: {  	[smem:$0x3FB2] =	sst s10  }
0x35: {  	s10 =	sld [smem:$0x3FB1];
	_ =	sdelay $0x3  }
0x36: {  	p1 =	seq.s32 s10, $0x1;
	s10 =	sld [smem:$0x3FB2];
	_ =	sdelay $0x3  }
0x37: {  	[smem:$0x3FB2] =	sst s10  }
0x38: {  	s10 =	sld [smem:$0x3FB3]  }
0x39: {  	_ = 	snop;
	(pc) =	sbr.ind lr, $3  }
0x3a: {  	_ = 	snop  }
0x3b: {  	_ = 	snop  }
0x3c: {  	p2 =	seq.s32 s10, $0x1;
	s10 =	sld [smem:$0x3FB2]  }
0x3d: {  	_ =	shalt  }
0x3e: {  	_ =	shalt  }
0x3f: {  	_ =	shalt  }
0x40: {  	_ =	shalt  }
0x41: {  	_ =	shalt  }
0x42: {  	_ =	shalt  }
0x43: {  	_ =	shalt  }
0x44: {  	_ =	shalt  }
0x45: {  	_ =	shalt  }
0x46: {  	_ =	shalt  }
0x47: {  	_ =	shalt  }
0x48: {  	_ =	shalt  }
0x49: {  	_ =	shalt  }
0x4a: {  	_ =	shalt  }
0x4b: {  	_ =	shalt  }
0x4c: {  	_ =	shalt  }
0x4d: {  	_ =	shalt  }
0x4e: {  	_ =	shalt  }
0x4f: {  	_ =	shalt  }
0x50: {  	_ =	shalt  }
0x51: {  	_ =	shalt  }
0x52: {  	_ =	shalt  }
0x53: {  	_ =	shalt  }
0x54: {  	_ =	shalt  }
0x55: {  	_ =	shalt  }
0x56: {  	_ =	shalt  }
0x57: {  	_ =	shalt  }
0x58: {  	_ =	shalt  }
0x59: {  	_ =	shalt  }
0x5a: {  	_ =	shalt  }
0x5b: {  	_ =	shalt  }
0x5c: {  	_ =	shalt  }
0x5d: {  	_ =	shalt  }
0x5e: {  	_ =	shalt  }
0x5f: {  	_ =	shalt  }
0x60: {  	_ =	shalt  }
0x61: {  	_ =	shalt  }
0x62: {  	_ =	shalt  }
0x63: {  	_ =	shalt  }
0x64: {  	_ =	shalt  }
0x65: {  	_ =	shalt  }
0x66: {  	_ =	shalt  }
0x67: {  	_ =	shalt  }
0x68: {  	_ =	shalt  }
0x69: {  	_ =	shalt  }
0x6a: {  	_ =	shalt  }
0x6b: {  	_ =	shalt  }
0x6c: {  	_ =	shalt  }
0x6d: {  	_ =	shalt  }
0x6e: {  	_ =	shalt  }
0x6f: {  	_ =	shalt  }
0x70: {  	_ =	shalt  }
0x71: {  	_ =	shalt  }
0x72: {  	_ =	shalt  }
0x73: {  	_ =	shalt  }
0x74: {  	_ =	shalt  }
0x75: {  	_ =	shalt  }
0x76: {  	_ =	shalt  }
0x77: {  	_ =	shalt  }
0x78: {  	_ =	shalt  }
0x79: {  	_ =	shalt  }
0x7a: {  	_ =	shalt  }
0x7b: {  	_ =	shalt  }
0x7c: {  	_ =	shalt  }
0x7d: {  	_ =	shalt  }
0x7e: {  	_ =	shalt  }
0x7f: {  	_ =	shalt  }
0x80: {  	_ =	shalt  }
0x81: {  	_ =	shalt  }
0x82: {  	_ =	shalt  }
0x83: {  	_ =	shalt  }
0x84: {  	_ =	shalt  }
0x85: {  	_ =	shalt  }
0x86: {  	_ =	shalt  }
0x87: {  	_ =	shalt  }
.Lfunc_end0:
.L_simem_size_0:
called_computation_lowered:
.L_overlay_start_0:
0x88: {  	s2 =	sld [smem:$0x3FD9]  }
0x89: {  	s3 =	sld [smem:$0x3FFE];
	_ =	sdelay $0x1  }
0x8a: {  	s1 =	srdreg.scid  }
0x8b: {  	s0 =	sand.u32 $0x1, s1  }
0x8c: {  	s14 =	sshll.u32 s0, $0xA;
	s2 =	sadd.s32 s3, s2  }
0x8d: {  	s2 =	sadd.s32 s2, s14  }
0x8e: {  	[smem:$0x3FBE] =	sst s2  }
0x8f: {  	_ = 	snop  }
0x90: {  	s2 =	sld [smem:$0x3FD0];
	_ =	sdelay $0x2  }
0x91: {  	s15 =	simm.s32 $0xA;
	s4 =	simm.s32 $0x10  }
0x92: {  	[smem:s4], [sflag:s15] =	dma.local [hbm:s2], $0x1  }
0x93: {  	_ =	swait.eq [sflag:s15], $0x1  }
0x94: {  	[sflag:s15] =	ssyncset.done $0x0  }
0x95: {  	s16 =	sld [smem:$0x10];
	[sflag:s15] =	ssyncadd.s32 $0xFFFFFFFF  }
0x96: {  	s17 =	sld [smem:$0x11];
	(tm) =	ssettm $0x1  }
0x97: {  	s18 =	sld [smem:$0x3FFB];
	_ =	sdelay $0x3  }
0x98: {  	_ =	strace s18  }
0x99: {  	s4 =	sld [smem:$0x3FFC];
	_ =	sdelay $0x3  }
0x9a: {  	_ =	strace s4  }
0x9b: {  	s4 =	sld [smem:$0x3FFD];
	_ =	sdelay $0x3  }
0x9c: {  	_ =	strace s4  }
0x9d: {  	_ =	strace $0x8FFFFFFF  }
0x9e: {  	s19 =	sld [smem:$0x3FDB];
	_ =	sdelay $0x1  }
0x9f: {  	s5 =	simm.s32 $_scs_section_size  }
0xa0: {  	s6 =	simm.s32 $_size__tile_overlayer_lowered;
	s7 =	simm.s32 $_tile_overlayer_lowered  }
0xa1: {  	s22 =	simm.s32 $0x1BFF;
	s21 =	sshll.u32 s7, $0x1;
	s4 =	sadd.s32 s5, s19  }
0xa2: {  	s8 =	simm.s32 $0x0;
	s20 =	sshll.u32 s6, $0x1;
	s6 =	sadd.s32 s21, s4  }
0xa3: {  	[timem:s8], [sflag:s22] =	dma.local [hbm:s6], s20  }
0xa4: {  	_ =	swait.ge [sflag:s22], s20  }
0xa5: {  	s5 =	ssub.s32 $0x0, s20;
	[sflag:s22] =	ssyncset.done $0x0  }
0xa6: {  	[sflag:s22] =	ssyncadd.s32 s5;
	_ =	sdelay $0x1  }
0xa7: {  	s23 =	simm.s32 $0x1B8B  }
0xa8: {  	_ =	swait.ge [sflag:s23], $0x1  }
0xa9: {  	[sflag:s23] =	ssyncset.done $0x0  }
0xaa: {  	s25 =	simm.s32 $0x1B8E;
	s24 =	sld [smem:$0x3FFE];
	[sflag:s23] =	ssyncadd.s32 $0xFFFFFFFF  }
0xab: {  	s26 =	simm.s32 $execute0_lowered;
	[smem:$0x3FD2] =	sst s25  }
0xac: {  	s6 =	sshll.u32 s26, $0x1;
	_ =	strace $0x80000046;
	[dreg:$0x1] =	wrdreg $0xFFFFFFFF  }
0xad: {  	s28 =	simm.s32 $_size_execute0_lowered;
	s4 =	sadd.s32 s4, s6;
	[dreg:$0x0] =	wrdreg $0x0  }
0xae: {  	s6 =	sshll.u32 s28, $0x1;
	[dreg:$0x2] =	wrdreg s4  }
0xaf: {  	[dreg:$0x3] =	wrdreg s6  }
0xb0: {  	[dreg:$0x4] =	wrdreg $0xC0  }
0xb1: {  	_ =	task [dreg:s8], $0x5FFFF  }
0xb2: {  	[dreg:$0x1] =	wrdreg $0xFFFFFFFF  }
0xb3: {  	[dreg:$0x0] =	wrdreg $0x60  }
0xb4: {  	[dreg:$0x2] =	wrdreg s16  }
0xb5: {  	[dreg:$0x3] =	wrdreg s17  }
0xb6: {  	[dreg:$0x4] =	wrdreg s24  }
0xb7: {  	[dreg:$0x5] =	wrdreg $0x9  }
0xb8: {  	_ =	task.clear_ibuf [dreg:s8], $0x6FFFF;
	_ =	strace $0x90000046  }
0xb9: {  	s29 =	simm.s32 $0x9;
	_ =	strace $0x80000048  }
0xba: {  	_ =	swait.ge [sflag:s29], $0x1  }
0xbb: {  	[sflag:s29] =	ssyncadd.s32 $0xFFFFFFFF  }
0xbc: {  	_ =	strace $0x90000048  }
0xbd: {  	_ =	sfence  }
0xbe: {  	s30 =	sld [smem:$0x0];
	_ =	sdelay $0x2  }
0xbf: {  	s31 =	sshll.u32 s1, $0xD;
	s1 =	sshrl.u32 s1, $0x2  }
0xc0: {  	s3 =	sand.u32 $0x4000, s31;
	s1 =	sadd.s32 s1, s30  }
0xc1: {  	s0 =	sor.u32 s3, s0;
	s1 =	sshll.u32 s1, $0x11  }
0xc2: {  	s0 =	sor.u32 s1, s0  }
0xc3: {  	s0 =	sadd.s32 $0x8F2B, s0  }
0xc4: {  	[sflag:s0] =	ssyncadd.remote.s32 $0x1  }
0xc5: {  	_ =	sfence.sel $0xFFFF  }
0xc6: {  	[dreg:$0x0] =	wrdreg $0xFFFFFFFF;
	(pc) =	sbr.abs _section_cstart, $3  }
0xc7: {  	[dreg:$0x1] =	wrdreg $0xFFFFFFFF  }
0xc8: {  	_ =	task.clear_ibuf [dreg:s8], $0x2FFFF;
	_ =	strace $0x9FFFFFFF  }
0xc9: {  	(tm) =	ssettm $0x7FFFFFFF  }
tec
execute0_lowered:
.L_overlay_start_1:
0x0: {  	(tag) =	ssettag $0x1  }
0x1: {  	s1 =	rddreg [dreg:$0x0]  }
0x2: {  	s2 =	rddreg [dreg:$0x1]  }
0x3: {  	s7 =	rddreg [dreg:$0x2]  }
0x4: {  	s0 =	rddreg [dreg:$0x3]  }
0x5: {  	s4 =	simm.s32 $0x0;
	s5 =	srdreg.scid;
	s3 =	stileid.u32  }
0x6: {  	s12 =	simm.s32 $0x50;
	s13 =	simm.s32 $0x100;
	s14 =	simm.s32 $0x2900  }
0x7: {  	s15 =	simm.s32 $0x1;
	s16 =	simm.s32 $0x2;
	s17 =	simm.s32 $0x0  }
0x8: {  	[smem:$0x7FF] =	sst s4;
	s8 =	sand.u32 $0x1, s5;
	s5 =	sadd.s32 $0xB600, s7  }
0x9: {  	s10 =	sshll.u32 s3, $0x1;
	s6 =	sadd.s32 $0x1800, s7;
	s9 =	ssub.s32 $0x2, s8  }
0xa: {  	s7 =	sadd.s32 $0x15400, s7;
	_ =	strace $0x80000047;
	s11 =	sshrl.u32 s9, $0x1  }
0xb: {  	s8 =	sor.u32 s8, s10;
	s10 =	simm.s32 $0x3;
	s9 =	ssub.s32 s9, s11  }
0xc: {  	s8 =	smul.u32 $0x2710, s8;
	s11 =	simm.s32 $0x80;
	s9 =	smax.u32 s9, $0x1  }
.LBB2_1:
0xd: {  	s18 =	simm.s32 $0x0  }
.LBB2_2:
0xe: {  	s19 =	smul.u32 $0x50, s18;
	_ =	sdelay $0x1  }
0xf: {  	s19 =	sadd.s32 s8, s19  }
0x10: {  	s20 =	sshrl.u32 s19, $0x3  }
0x11: {  	s22 =	simm.s32 $0x0;
	s21 =	sadd.s32 s5, s20  }
0x12: {  	[tilespmem:s22], [sflag:$0x3] =	stream.linear.gather [hbm4b:s21+s22], $0x50, $0x38;
	[tilespmem:$0x5100] =	vst v63  }
0x13: {  	_ =	swait.ge [sflag:s10], $0x50  }
0x14: {  	[sflag:s10] =	ssyncset.done $0x0  }
0x15: {  	s20 =	sadd.s32 s6, s20;
	[sflag:s10] =	ssyncadd.s32 $0xFFFFFFB0  }
0x16: {  	[tilespmem:s11], [sflag:$0x3] =	stream.linear.gather [hbm4b:s20+s22], $0x50, $0x38;
	[tilespmem:$0x5100] =	vst v63  }
0x17: {  	_ =	swait.ge [sflag:s10], $0x50  }
0x18: {  	[sflag:s10] =	ssyncset.done $0x0  }
0x19: {  	[sflag:s10] =	ssyncadd.s32 $0xFFFFFFB0  }
0x1a: {  	[tilespmem:s13], [sflag:$0x1] =	stream.indirect.gather [hbm4b:s1+s12], $0x80, s22, s12, $0xb8;
	[tilespmem:$0x5100] =	vst v63  }
0x1b: {  	_ = 	snop  }
0x1c: {  	[tilespmem:s14], [sflag:$0x2] =	stream.indirect.gather [hbm4b:s2+s12], $0x80, s11, s12, $0xb8;
	[tilespmem:$0x5100] =	vst v63  }
0x1d: {  	_ =	swait.ge [sflag:s15], $0x2800  }
0x1e: {  	[sflag:s15] =	ssyncset.done $0x0  }
0x1f: {  	[sflag:s15] =	ssyncadd.s32 $0xFFFFD800  }
0x20: {  	_ =	swait.ge [sflag:s16], $0x2800  }
0x21: {  	[sflag:s16] =	ssyncset.done $0x0  }
0x22: {  	s20 =	simm.s32 $0x0;
	[sflag:s16] =	ssyncadd.s32 $0xFFFFD800  }
0x23: {  	v7 =	vld [tilespmem:s20+$0x2900]  }
0x24: {  	v11 =	vld [tilespmem:s20+$0x2910]  }
0x25: {  	v5 =	vld [tilespmem:s20+$0x2920]  }
0x26: {  	v4 =	vld [tilespmem:s20+$0x2930]  }
0x27: {  	v3 =	vld [tilespmem:s20+$0x2940]  }
0x28: {  	v2 =	vld [tilespmem:s20+$0x2950]  }
0x29: {  	v1 =	vld [tilespmem:s20+$0x2960]  }
0x2a: {  	v0 =	vld [tilespmem:s20+$0x2970]  }
0x2b: {  	v12 =	vld [tilespmem:s20+$0x100]  }
0x2c: {  	v13 =	vld [tilespmem:s20+$0x110]  }
0x2d: {  	v10 =	vld [tilespmem:s20+$0x120]  }
0x2e: {  	v9 =	vld [tilespmem:s20+$0x130]  }
0x2f: {  	v8 =	vld [tilespmem:s20+$0x140]  }
0x30: {  	v6 =	vld [tilespmem:s20+$0x150];
	v12 =	vadd.f32 v7, v12  }
0x31: {  	s21 =	simm.s32 $0x200;
	v11 =	vadd.f32 v11, v13;
	v7 =	vld [tilespmem:s20+$0x160]  }
.LBB2_3:
0x32: {  	s22 =	sshra.s32 s21, $0x2;
	p0 =	sne.s32 s21, $0x9E00;
	[tilespmem:s20+$0x100] =	vst v12;
	v5 =	vadd.f32 v5, v10;
	v10 =	vld [tilespmem:s20+$0x170]  }
0x33: {  	v12 =	vld [tilespmem:s22+$0x2900];
	[tilespmem:s20+$0x110] =	vst v11;
	v4 =	vadd.f32 v4, v9  }
0x34: {  	v11 =	vld [tilespmem:s22+$0x2910];
	[tilespmem:s20+$0x120] =	vst v5;
	v3 =	vadd.f32 v3, v8  }
0x35: {  	v5 =	vld [tilespmem:s22+$0x2920];
	[tilespmem:s20+$0x130] =	vst v4;
	v2 =	vadd.f32 v2, v6  }
0x36: {  	v4 =	vld [tilespmem:s22+$0x2930];
	[tilespmem:s20+$0x140] =	vst v3;
	v1 =	vadd.f32 v1, v7  }
0x37: {  	v3 =	vld [tilespmem:s22+$0x2940];
	[tilespmem:s20+$0x150] =	vst v2;
	v0 =	vadd.f32 v0, v10  }
0x38: {  	v2 =	vld [tilespmem:s22+$0x2950];
	[tilespmem:s20+$0x160] =	vst v1  }
0x39: {  	v1 =	vld [tilespmem:s22+$0x2960];
	[tilespmem:s20+$0x170] =	vst v0;
	s20 =	smov.u32 s22  }
0x3a: {  	v0 =	vld [tilespmem:s20+$0x2970]  }
0x3b: {  	v6 =	vld [tilespmem:s20+$0x100]  }
0x3c: {  	v7 =	vld [tilespmem:s20+$0x110]  }
.Ltmp0:
0x3d: {  	v10 =	vld [tilespmem:s20+$0x120];
	(pc) =	sbr.rel @p0 .LBB2_3-.Ltmp0, $4  }
0x3e: {  	v9 =	vld [tilespmem:s20+$0x130]  }
0x3f: {  	v8 =	vld [tilespmem:s20+$0x140]  }
0x40: {  	v12 =	vadd.f32 v12, v6;
	v6 =	vld [tilespmem:s20+$0x150]  }
0x41: {  	s21 =	sadd.s32 $0x200, s21;
	v11 =	vadd.f32 v11, v7;
	v7 =	vld [tilespmem:s20+$0x160]  }
0x42: {  	[tilespmem:s20+$0x100] =	vst v12;
	v5 =	vadd.f32 v5, v10;
	v63 =	vld [tilespmem:s20+$0x170]  }
0x43: {  	[tilespmem:s20+$0x110] =	vst v11;
	v4 =	vadd.f32 v4, v9  }
0x44: {  	[tilespmem:s20+$0x120] =	vst v5;
	v3 =	vadd.f32 v3, v8  }
0x45: {  	[tilespmem:s20+$0x130] =	vst v4;
	v2 =	vadd.f32 v2, v6  }
0x46: {  	[tilespmem:s20+$0x140] =	vst v3;
	v1 =	vadd.f32 v1, v7  }
0x47: {  	s18 =	sadd.s32 $0x1, s18;
	[tilespmem:s20+$0x150] =	vst v2;
	v0 =	vadd.f32 v0, v63  }
0x48: {  	s19 =	sshll.u32 s19, $0x4;
	p0 =	sne.s32 s18, $0x7D;
	[tilespmem:s20+$0x160] =	vst v1  }
.Ltmp1:
0x49: {  	s19 =	sadd.s32 s7, s19;
	[tilespmem:s20+$0x170] =	vst v0;
	(pc) =	sbr.rel @p0 .LBB2_2-.Ltmp1, $4  }
0x4a: {  	[hbm4b:s19+s4] =	stream.linear.scatter [tilespmem:s13], [sflag:$0x3], $0x2800, $0x38;
	[tilespmem:$0x5100] =	vst v63  }
0x4b: {  	_ =	swait.ge [sflag:s10], $0x2800  }
0x4c: {  	[sflag:s10] =	ssyncset.done $0x0  }
0x4d: {  	[sflag:s10] =	ssyncadd.s32 $0xFFFFD800  }
0x4e: {  	s17 =	sadd.s32 $0x1, s17  }
0x4f: {  	p0 =	sne.s32 s17, s9  }
.Ltmp2:
0x50: {  	_ = 	snop;
	(pc) =	sbr.rel @p0 .LBB2_1-.Ltmp2, $1  }
0x51: {  	_ =	sdelay $0x3  }
0x52: {  	_ =	sfence.sel $0x180000  }
0x53: {  	[bflag:$0x0] =	sbarrier.arrive $0xFFFF  }
0x54: {  	p0 =	sne.s32 s3, $0x0;
	_ =	strace $0x90000047  }
0x55: {  	s0 =	sadd.s32 @!p0 $0x100000, s0;
	[bflag:$0x2] =	sbarrier.arrive $0xFFFF  }
0x56: {  	[sflag:s0] =	ssyncadd.tile.s32 @!p0 $0x1;
	_ =	shalt  }
.Lfunc_end2:
_tile_overlayer_lowered:
.L_overlay_start_2:
0x57: {  	(tag) =	ssettag $0x2  }
0x58: {  	s0 =	rddreg [dreg:$0x0];
	s2 =	stileid.u32  }
0x59: {  	s1 =	rddreg [dreg:$0x1];
	p0 =	sne.s32 s2, $0x0  }
0x5a: {  	s3 =	rddreg [dreg:$0x2];
	[bflag:$0x3] =	sbarrier.arrive $0xFFFF;
	s2 =	simm.s32 @!p0 $0x1C03  }
0x5b: {  	[timem:s3], [sflag:s2] =	dma.local @!p0 [hbm:s0], s1  }
0x5c: {  	s0 =	simm.s32 @!p0 $0x3  }
0x5d: {  	_ =	swait.ge @!p0 [sflag:s0], s1  }
0x5e: {  	s1 =	ssub.s32 @!p0 $0x0, s1;
	[sflag:s0] =	ssyncset.done @!p0 $0x0  }
0x5f: {  	[sflag:s0] =	ssyncadd.s32 @!p0 s1  }
0x60: {  	[bflag:$0x3] =	sbarrier.arrive $0xFFFF  }
0x61: {  	_ =	shalt  }

</sc_bundles>
